<compile_context>
chip_gen: v7x
topology: tpu7x:2x2x1
jax: 0.10.2.dev20260603
libtpu: 0.0.44.dev20260713+nightly
codegen_flags: <defaults>
</compile_context>

<pallas_src>
import functools

import jax
import jax.numpy as jnp
from jax import lax
from jax.experimental import pallas as pl
from jax.experimental.pallas import tpu as pltpu
from jax.experimental.pallas import tpu_sc as plsc

VOCAB = 100000
EMBED = 64
CTX = 20
AW = 128
AK = 80
VPAD = 100352
BV = 2048
NEG = -1e30
INFLIGHT = 20


def _sc_gather(t_table, idx_t, tgt_idx, tb_idx, bp, zeros_blk):
    n_idx = idx_t.shape[0]
    n_tgt = tgt_idx.shape[0]
    info = plsc.get_sparse_core_info()
    nw = info.num_cores * info.num_subcores
    chw = 128
    ch_per_w = n_idx // (nw * chw)
    tgt_per_w = n_tgt // nw

    mesh = plsc.VectorSubcoreMesh(core_axis_name="c", subcore_axis_name="s")

    @functools.partial(
        pl.kernel,
        mesh=mesh,
        out_type=[
            jax.ShapeDtypeStruct((n_tgt, AW), jnp.float32),
            jax.ShapeDtypeStruct((n_tgt, AW), jnp.float32),
            jax.ShapeDtypeStruct((n_tgt, AW), jnp.float32),
        ],
        scratch_types=[
            pltpu.VMEM((ch_per_w * chw,), jnp.int32),
            pltpu.VMEM((chw, AW), jnp.float32),
            pltpu.VMEM((tgt_per_w,), jnp.int32),
            pltpu.VMEM((tgt_per_w,), jnp.int32),
            pltpu.VMEM((tgt_per_w, AW), jnp.float32),
            pltpu.VMEM((tgt_per_w, AW), jnp.float32),
            pltpu.SemaphoreType.DMA,
            pltpu.SemaphoreType.DMA,
            pltpu.SemaphoreType.DMA,
        ],
    )
    def k(t_hbm, idx_hbm, tgt_hbm, tbi_hbm, bp_hbm, z_hbm,
          s_out, tg_out, bg_out,
          idx_all, acc, tidx, tbidx, trows, brows, gs, ts, ws):
        wid = lax.axis_index("s") * info.num_cores + lax.axis_index("c")
        base = wid * tgt_per_w
        pltpu.sync_copy(
            idx_hbm.at[pl.ds(wid * ch_per_w * chw, ch_per_w * chw)], idx_all)
        pltpu.sync_copy(tgt_hbm.at[pl.ds(base, tgt_per_w)], tidx)
        pltpu.sync_copy(tbi_hbm.at[pl.ds(base, tgt_per_w)], tbidx)
        th = pltpu.async_copy(t_hbm.at[tidx], trows, ts)
        bh = pltpu.async_copy(bp_hbm.at[tbidx], brows, ts)
        pltpu.sync_copy(z_hbm, acc)
        gh = [None] * ch_per_w
        for j in range(ch_per_w):
            if j >= INFLIGHT:
                gh[j - INFLIGHT].wait()
            gh[j] = pltpu.async_copy(
                t_hbm.at[idx_all.at[pl.ds(j * chw, chw)]], acc, gs, add=True)
        for j in range(ch_per_w - INFLIGHT, ch_per_w):
            gh[j].wait()
        w0 = pltpu.async_copy(acc, s_out.at[pl.ds(base, tgt_per_w)], ws)
        th.wait()
        w1 = pltpu.async_copy(trows, tg_out.at[pl.ds(base, tgt_per_w)], ws)
        bh.wait()
        w2 = pltpu.async_copy(brows, bg_out.at[pl.ds(base, tgt_per_w)], ws)
        w0.wait()
        w1.wait()
        w2.wait()

    return k(t_table, idx_t, tgt_idx, tb_idx, bp, zeros_blk)


def _tc_body(s_ref, tg_ref, bg_ref, oh_ref, at_ref, out_ref,
             sbf_ref, tgt_ref, acc_ref):
    iv = pl.program_id(0)
    nv = pl.num_programs(0)
    nb_tot = s_ref.shape[0]

    @pl.when(iv == 0)
    def _init():
        s = s_ref[:, 0:EMBED]
        s_aug = jnp.concatenate(
            [s, jnp.ones((nb_tot, 1), jnp.float32),
             jnp.zeros((nb_tot, AK - EMBED - 1), jnp.float32)], axis=1)
        sbf_ref[...] = s_aug.astype(jnp.bfloat16)
        tgt_ref[...] = (
            jnp.sum(s * tg_ref[:, EMBED:AW], axis=1, keepdims=True)
            + jnp.sum(bg_ref[...] * oh_ref[...], axis=1, keepdims=True))
        acc_ref[...] = jnp.zeros_like(acc_ref)

    logits = lax.dot_general(
        sbf_ref[...], at_ref[...], (((1,), (0,)), ((), ())),
        preferred_element_type=jnp.float32)
    ex = jnp.exp2(logits)
    part = ex[:, 0:AW]
    for k in range(1, BV // AW):
        part = part + ex[:, k * AW:(k + 1) * AW]
    acc_ref[...] += part

    @pl.when(iv == nv - 1)
    def _fin():
        tot = jnp.sum(acc_ref[...], axis=1, keepdims=True)
        nll = jnp.log(tot) - tgt_ref[...]
        out_ref[...] = jnp.full((1, 1), jnp.sum(nll) / nb_tot, jnp.float32)


def _tc_loss(s, tg, bg, oh, at_bf):
    b = s.shape[0]
    nv = VPAD // BV
    full = lambda i: (0, 0)
    out = pl.pallas_call(
        _tc_body,
        grid=(nv,),
        in_specs=[
            pl.BlockSpec((b, AW), full),
            pl.BlockSpec((b, AW), full),
            pl.BlockSpec((b, AW), full),
            pl.BlockSpec((b, AW), full),
            pl.BlockSpec((AK, BV), lambda i: (0, i)),
        ],
        out_specs=pl.BlockSpec((1, 1), full),
        out_shape=jax.ShapeDtypeStruct((1, 1), jnp.float32),
        scratch_shapes=[
            pltpu.VMEM((b, AK), jnp.bfloat16),
            pltpu.VMEM((b, 1), jnp.float32),
            pltpu.VMEM((b, AW), jnp.float32),
        ],
    )(s, tg, bg, oh, at_bf)
    return out[0, 0]


def kernel(inputs, target, emb_table, W, b):
    bsz, ctx = inputs.shape
    v, e = emb_table.shape
    nw = 32
    per_w = bsz // nw
    idx_t = (inputs.astype(jnp.int32)
             .reshape(nw, per_w, ctx).transpose(0, 2, 1).reshape(-1))
    tgt_idx = target.astype(jnp.int32)
    tb_idx = tgt_idx // AW
    oh = jax.nn.one_hot(tgt_idx % AW, AW, dtype=jnp.float32)
    t_table = jnp.concatenate(
        [emb_table[:, None, :], W[:, None, :]], axis=1).reshape(v, 2 * e)
    bp = jnp.concatenate(
        [b, jnp.zeros((-v) % AW, jnp.float32)]).reshape(-1, AW)
    zeros_blk = jnp.zeros((per_w, AW), jnp.float32)
    s, tg, bg = _sc_gather(t_table, idx_t, tgt_idx, tb_idx, bp, zeros_blk)
    pad_cols = jnp.zeros((AK, VPAD - v), jnp.float32).at[e, :].set(NEG)
    at_t = jnp.concatenate(
        [W.T, b[None, :], jnp.zeros((AK - e - 1, v), jnp.float32)], axis=0)
    at_t = (jnp.concatenate([at_t, pad_cols], axis=1)
            * jnp.float32(1.4426950408889634)).astype(jnp.bfloat16)
    return _tc_loss(s, tg, bg, oh, at_t)

# --- scband reference (transcript-rebuilt; emitter-appended) ---
"""Pipeline reference for scband-cbow-49572512530613 (READ-ONLY COPY).

The authoritative reference and input builder live on the scoring server;
editing this copy changes nothing except your own understanding.
"""

import jax, jax.numpy as jnp
import numpy as np

VOCAB = 100000
EMBED = 64
BATCH = 4096
CTX = 20


def setup_inputs(seed: int = 0) -> dict:
    key = jax.random.key(seed)
    k1, k2, k3, k4, k5 = jax.random.split(key, 5)
    inputs = jax.random.randint(k1, (BATCH, CTX), 0, VOCAB, dtype=jnp.int64 if jax.config.jax_enable_x64 else jnp.int32)
    target = jax.random.randint(k2, (BATCH,), 0, VOCAB, dtype=jnp.int64 if jax.config.jax_enable_x64 else jnp.int32)
    # Embedding table initialized uniform(-0.1, 0.1) as in init_weights()
    emb_table = jax.random.uniform(k3, (VOCAB, EMBED), dtype=jnp.float32, minval=-0.1, maxval=0.1)
    # Linear layer: torch nn.Linear(embedding_dim, vocab_size) -> weight [vocab, embed], bias [vocab]
    bound = 1.0 / np.sqrt(EMBED)
    W = jax.random.uniform(k4, (VOCAB, EMBED), dtype=jnp.float32, minval=-bound, maxval=bound)
    b = jax.random.uniform(k5, (VOCAB,), dtype=jnp.float32, minval=-bound, maxval=bound)
    return {"inputs": inputs, "target": target, "emb_table": emb_table, "W": W, "b": b}


def reference(inputs, target, emb_table, W, b):
    # embedding lookup: [B, CTX, EMBED]
    embedded_input = jnp.take(emb_table, inputs, axis=0)
    # sum over context window: [B, EMBED]
    sum_embedding = jnp.sum(embedded_input, axis=1)
    # linear projection to vocab: [B, VOCAB]
    output = sum_embedding @ W.T + b
    # log_softmax over vocab dim
    log_probs = jax.nn.log_softmax(output, axis=-1)
    # NLLLoss (mean reduction)
    nll = -jnp.take_along_axis(log_probs, target[:, None], axis=1)[:, 0]
    return jnp.mean(nll)

if __name__ == "__main__":
    import jax
    _d = setup_inputs()
    print(jax.jit(kernel)(*tuple(_d.values())))

</pallas_src>

<mosaic_0001>
#map = affine_map<(d0, d1) -> (0, 0)>
#map1 = affine_map<(d0, d1) -> (0)>
module attributes {stable_mosaic.version = 14 : i64} {
  func.func @k(%arg0: i32, %arg1: i32, %arg2: memref<100000x128xf32, #tpu.memory_space<hbm>>, %arg3: memref<81920xi32, #tpu.memory_space<hbm>>, %arg4: memref<4096xi32, #tpu.memory_space<hbm>>, %arg5: memref<4096xi32, #tpu.memory_space<hbm>>, %arg6: memref<782x128xf32, #tpu.memory_space<hbm>>, %arg7: memref<128x128xf32, #tpu.memory_space<hbm>>, %arg8: memref<4096x128xf32, #tpu.memory_space<hbm>>, %arg9: memref<4096x128xf32, #tpu.memory_space<hbm>>, %arg10: memref<4096x128xf32, #tpu.memory_space<hbm>>, %arg11: memref<2560xi32, #tpu.memory_space<vmem>>, %arg12: memref<128x128xf32, #tpu.memory_space<vmem>>, %arg13: memref<128xi32, #tpu.memory_space<vmem>>, %arg14: memref<128xi32, #tpu.memory_space<vmem>>, %arg15: memref<128x128xf32, #tpu.memory_space<vmem>>, %arg16: memref<128x128xf32, #tpu.memory_space<vmem>>, %arg17: memref<!tpu.dma_semaphore, #tpu.memory_space<semaphore_mem>>, %arg18: memref<!tpu.dma_semaphore, #tpu.memory_space<semaphore_mem>>, %arg19: memref<!tpu.dma_semaphore, #tpu.memory_space<semaphore_mem>>) attributes {dimension_semantics = [#tpu.dimension_semantics<core_parallel>, #tpu.dimension_semantics<subcore_parallel>], iteration_bounds = array<i64: 2, 16>, scalar_prefetch = 0 : i64, scratch_operands = 9 : i64, tpu.core_type = #tpu.core_type<sc_vector_subcore>, window_params = [{transform_indices = #map}, {transform_indices = #map1}, {transform_indices = #map1}, {transform_indices = #map1}, {transform_indices = #map}, {transform_indices = #map}, {transform_indices = #map}, {transform_indices = #map}, {transform_indices = #map}]} {
    %mul3A = arith.constant 2 : i32
    %mul3A_0 = arith.muli %arg1, %mul3A : i32
    %add3A = arith.addi %mul3A_0, %arg0 : i32
    %mul3A_1 = arith.constant 128 : i32
    %mul3A_2 = arith.muli %add3A, %mul3A_1 : i32
    %mul3A_3 = arith.constant 20 : i32
    %mul3A_4 = arith.muli %add3A, %mul3A_3 : i32
    %mul3A_5 = arith.constant 128 : i32
    %mul3A_6 = arith.muli %mul3A_4, %mul3A_5 : i32
    "tpu.region"() ({
      %run_scoped3A = tpu.sem_alloc : memref<!tpu.dma_semaphore, #tpu.memory_space<semaphore_mem>>
      %dma_start3A_241 = tpu.memref_slice %arg3[%mul3A_6] : memref<81920xi32, #tpu.memory_space<hbm>> -> memref<2560xi32, #tpu.memory_space<hbm>>
      %dma_start3A_242 = tpu.memref_slice %arg3[%mul3A_6] : memref<81920xi32, #tpu.memory_space<hbm>> -> memref<2560xi32, #tpu.memory_space<hbm>>
      tpu.enqueue_dma source(%dma_start3A_242 : memref<2560xi32, #tpu.memory_space<hbm>>) target(%arg11 : memref<2560xi32, #tpu.memory_space<vmem>>) target_semaphore(%run_scoped3A : memref<!tpu.dma_semaphore, #tpu.memory_space<semaphore_mem>>)
      %dma_wait3A_243 = tpu.memref_slice %arg3[%mul3A_6] : memref<81920xi32, #tpu.memory_space<hbm>> -> memref<2560xi32, #tpu.memory_space<hbm>>
      %dma_wait3A_244 = tpu.memref_slice %arg3[%mul3A_6] : memref<81920xi32, #tpu.memory_space<hbm>> -> memref<2560xi32, #tpu.memory_space<hbm>>
      tpu.wait_dma2 semaphore(%run_scoped3A : memref<!tpu.dma_semaphore, #tpu.memory_space<semaphore_mem>>) src(%dma_wait3A_244 : memref<2560xi32, #tpu.memory_space<hbm>>) dst(%arg11 : memref<2560xi32, #tpu.memory_space<vmem>>)
      tpu.yield
    }) : () -> ()
    "tpu.region"() ({
      %run_scoped3A = tpu.sem_alloc : memref<!tpu.dma_semaphore, #tpu.memory_space<semaphore_mem>>
      %dma_start3A_241 = tpu.memref_slice %arg4[%mul3A_2] : memref<4096xi32, #tpu.memory_space<hbm>> -> memref<128xi32, #tpu.memory_space<hbm>>
      %dma_start3A_242 = tpu.memref_slice %arg4[%mul3A_2] : memref<4096xi32, #tpu.memory_space<hbm>> -> memref<128xi32, #tpu.memory_space<hbm>>
      tpu.enqueue_dma source(%dma_start3A_242 : memref<128xi32, #tpu.memory_space<hbm>>) target(%arg13 : memref<128xi32, #tpu.memory_space<vmem>>) target_semaphore(%run_scoped3A : memref<!tpu.dma_semaphore, #tpu.memory_space<semaphore_mem>>)
      %dma_wait3A_243 = tpu.memref_slice %arg4[%mul3A_2] : memref<4096xi32, #tpu.memory_space<hbm>> -> memref<128xi32, #tpu.memory_space<hbm>>
      %dma_wait3A_244 = tpu.memref_slice %arg4[%mul3A_2] : memref<4096xi32, #tpu.memory_space<hbm>> -> memref<128xi32, #tpu.memory_space<hbm>>
      tpu.wait_dma2 semaphore(%run_scoped3A : memref<!tpu.dma_semaphore, #tpu.memory_space<semaphore_mem>>) src(%dma_wait3A_244 : memref<128xi32, #tpu.memory_space<hbm>>) dst(%arg13 : memref<128xi32, #tpu.memory_space<vmem>>)
      tpu.yield
    }) : () -> ()
    "tpu.region"() ({
      %run_scoped3A = tpu.sem_alloc : memref<!tpu.dma_semaphore, #tpu.memory_space<semaphore_mem>>
      %dma_start3A_241 = tpu.memref_slice %arg5[%mul3A_2] : memref<4096xi32, #tpu.memory_space<hbm>> -> memref<128xi32, #tpu.memory_space<hbm>>
      %dma_start3A_242 = tpu.memref_slice %arg5[%mul3A_2] : memref<4096xi32, #tpu.memory_space<hbm>> -> memref<128xi32, #tpu.memory_space<hbm>>
      tpu.enqueue_dma source(%dma_start3A_242 : memref<128xi32, #tpu.memory_space<hbm>>) target(%arg14 : memref<128xi32, #tpu.memory_space<vmem>>) target_semaphore(%run_scoped3A : memref<!tpu.dma_semaphore, #tpu.memory_space<semaphore_mem>>)
      %dma_wait3A_243 = tpu.memref_slice %arg5[%mul3A_2] : memref<4096xi32, #tpu.memory_space<hbm>> -> memref<128xi32, #tpu.memory_space<hbm>>
      %dma_wait3A_244 = tpu.memref_slice %arg5[%mul3A_2] : memref<4096xi32, #tpu.memory_space<hbm>> -> memref<128xi32, #tpu.memory_space<hbm>>
      tpu.wait_dma2 semaphore(%run_scoped3A : memref<!tpu.dma_semaphore, #tpu.memory_space<semaphore_mem>>) src(%dma_wait3A_244 : memref<128xi32, #tpu.memory_space<hbm>>) dst(%arg14 : memref<128xi32, #tpu.memory_space<vmem>>)
      tpu.yield
    }) : () -> ()
    %dma_start3A = arith.constant 0 : i32
    %dma_start3A_7 = arith.constant 0 : i32
    %dma_start3A_8 = tpu.memref_slice %arg2[%dma_start3A, %dma_start3A_7] : memref<100000x128xf32, #tpu.memory_space<hbm>> -> memref<100000x128xf32, #tpu.memory_space<hbm>>
    tpu.enqueue_indirect_dma source(%dma_start3A_8 : memref<100000x128xf32, #tpu.memory_space<hbm>>) target(%arg15 : memref<128x128xf32, #tpu.memory_space<vmem>>) offsets(%arg13 : memref<128xi32, #tpu.memory_space<vmem>>) semaphore(%arg18 : memref<!tpu.dma_semaphore, #tpu.memory_space<semaphore_mem>>)
    %dma_start3A_9 = arith.constant 0 : i32
    %dma_start3A_10 = arith.constant 0 : i32
    %dma_start3A_11 = tpu.memref_slice %arg6[%dma_start3A_9, %dma_start3A_10] : memref<782x128xf32, #tpu.memory_space<hbm>> -> memref<782x128xf32, #tpu.memory_space<hbm>>
    tpu.enqueue_indirect_dma source(%dma_start3A_11 : memref<782x128xf32, #tpu.memory_space<hbm>>) target(%arg16 : memref<128x128xf32, #tpu.memory_space<vmem>>) offsets(%arg14 : memref<128xi32, #tpu.memory_space<vmem>>) semaphore(%arg18 : memref<!tpu.dma_semaphore, #tpu.memory_space<semaphore_mem>>)
    "tpu.region"() ({
      %run_scoped3A = tpu.sem_alloc : memref<!tpu.dma_semaphore, #tpu.memory_space<semaphore_mem>>
      tpu.enqueue_dma source(%arg7 : memref<128x128xf32, #tpu.memory_space<hbm>>) target(%arg12 : memref<128x128xf32, #tpu.memory_space<vmem>>) target_semaphore(%run_scoped3A : memref<!tpu.dma_semaphore, #tpu.memory_space<semaphore_mem>>)
      tpu.wait_dma2 semaphore(%run_scoped3A : memref<!tpu.dma_semaphore, #tpu.memory_space<semaphore_mem>>) src(%arg7 : memref<128x128xf32, #tpu.memory_space<hbm>>) dst(%arg12 : memref<128x128xf32, #tpu.memory_space<vmem>>)
      tpu.yield
    }) : () -> ()
    %dma_start3A_12 = arith.constant 0 : i32
    %dma_start3A_13 = tpu.memref_slice %arg11[%dma_start3A_12] : memref<2560xi32, #tpu.memory_space<vmem>> -> memref<128xi32, #tpu.memory_space<vmem>>
    %dma_start3A_14 = arith.constant 0 : i32
    %dma_start3A_15 = arith.constant 0 : i32
    %dma_start3A_16 = tpu.memref_slice %arg2[%dma_start3A_14, %dma_start3A_15] : memref<100000x128xf32, #tpu.memory_space<hbm>> -> memref<100000x128xf32, #tpu.memory_space<hbm>>
    tpu.enqueue_indirect_dma source(%dma_start3A_16 : memref<100000x128xf32, #tpu.memory_space<hbm>>) target(%arg12 : memref<128x128xf32, #tpu.memory_space<vmem>>) offsets(%dma_start3A_13 : memref<128xi32, #tpu.memory_space<vmem>>) semaphore(%arg17 : memref<!tpu.dma_semaphore, #tpu.memory_space<semaphore_mem>>) {add = true}
    %dma_start3A_17 = arith.constant 128 : i32
    %dma_start3A_18 = tpu.memref_slice %arg11[%dma_start3A_17] : memref<2560xi32, #tpu.memory_space<vmem>> -> memref<128xi32, #tpu.memory_space<vmem>>
    %dma_start3A_19 = arith.constant 0 : i32
    %dma_start3A_20 = arith.constant 0 : i32
    %dma_start3A_21 = tpu.memref_slice %arg2[%dma_start3A_19, %dma_start3A_20] : memref<100000x128xf32, #tpu.memory_space<hbm>> -> memref<100000x128xf32, #tpu.memory_space<hbm>>
    tpu.enqueue_indirect_dma source(%dma_start3A_21 : memref<100000x128xf32, #tpu.memory_space<hbm>>) target(%arg12 : memref<128x128xf32, #tpu.memory_space<vmem>>) offsets(%dma_start3A_18 : memref<128xi32, #tpu.memory_space<vmem>>) semaphore(%arg17 : memref<!tpu.dma_semaphore, #tpu.memory_space<semaphore_mem>>) {add = true}
    %dma_start3A_22 = arith.constant 256 : i32
    %dma_start3A_23 = tpu.memref_slice %arg11[%dma_start3A_22] : memref<2560xi32, #tpu.memory_space<vmem>> -> memref<128xi32, #tpu.memory_space<vmem>>
    %dma_start3A_24 = arith.constant 0 : i32
    %dma_start3A_25 = arith.constant 0 : i32
    %dma_start3A_26 = tpu.memref_slice %arg2[%dma_start3A_24, %dma_start3A_25] : memref<100000x128xf32, #tpu.memory_space<hbm>> -> memref<100000x128xf32, #tpu.memory_space<hbm>>
    tpu.enqueue_indirect_dma source(%dma_start3A_26 : memref<100000x128xf32, #tpu.memory_space<hbm>>) target(%arg12 : memref<128x128xf32, #tpu.memory_space<vmem>>) offsets(%dma_start3A_23 : memref<128xi32, #tpu.memory_space<vmem>>) semaphore(%arg17 : memref<!tpu.dma_semaphore, #tpu.memory_space<semaphore_mem>>) {add = true}
    %dma_start3A_27 = arith.constant 384 : i32
    %dma_start3A_28 = tpu.memref_slice %arg11[%dma_start3A_27] : memref<2560xi32, #tpu.memory_space<vmem>> -> memref<128xi32, #tpu.memory_space<vmem>>
    %dma_start3A_29 = arith.constant 0 : i32
    %dma_start3A_30 = arith.constant 0 : i32
    %dma_start3A_31 = tpu.memref_slice %arg2[%dma_start3A_29, %dma_start3A_30] : memref<100000x128xf32, #tpu.memory_space<hbm>> -> memref<100000x128xf32, #tpu.memory_space<hbm>>
    tpu.enqueue_indirect_dma source(%dma_start3A_31 : memref<100000x128xf32, #tpu.memory_space<hbm>>) target(%arg12 : memref<128x128xf32, #tpu.memory_space<vmem>>) offsets(%dma_start3A_28 : memref<128xi32, #tpu.memory_space<vmem>>) semaphore(%arg17 : memref<!tpu.dma_semaphore, #tpu.memory_space<semaphore_mem>>) {add = true}
    %dma_start3A_32 = arith.constant 512 : i32
    %dma_start3A_33 = tpu.memref_slice %arg11[%dma_start3A_32] : memref<2560xi32, #tpu.memory_space<vmem>> -> memref<128xi32, #tpu.memory_space<vmem>>
    %dma_start3A_34 = arith.constant 0 : i32
    %dma_start3A_35 = arith.constant 0 : i32
    %dma_start3A_36 = tpu.memref_slice %arg2[%dma_start3A_34, %dma_start3A_35] : memref<100000x128xf32, #tpu.memory_space<hbm>> -> memref<100000x128xf32, #tpu.memory_space<hbm>>
    tpu.enqueue_indirect_dma source(%dma_start3A_36 : memref<100000x128xf32, #tpu.memory_space<hbm>>) target(%arg12 : memref<128x128xf32, #tpu.memory_space<vmem>>) offsets(%dma_start3A_33 : memref<128xi32, #tpu.memory_space<vmem>>) semaphore(%arg17 : memref<!tpu.dma_semaphore, #tpu.memory_space<semaphore_mem>>) {add = true}
    %dma_start3A_37 = arith.constant 640 : i32
    %dma_start3A_38 = tpu.memref_slice %arg11[%dma_start3A_37] : memref<2560xi32, #tpu.memory_space<vmem>> -> memref<128xi32, #tpu.memory_space<vmem>>
    %dma_start3A_39 = arith.constant 0 : i32
    %dma_start3A_40 = arith.constant 0 : i32
    %dma_start3A_41 = tpu.memref_slice %arg2[%dma_start3A_39, %dma_start3A_40] : memref<100000x128xf32, #tpu.memory_space<hbm>> -> memref<100000x128xf32, #tpu.memory_space<hbm>>
    tpu.enqueue_indirect_dma source(%dma_start3A_41 : memref<100000x128xf32, #tpu.memory_space<hbm>>) target(%arg12 : memref<128x128xf32, #tpu.memory_space<vmem>>) offsets(%dma_start3A_38 : memref<128xi32, #tpu.memory_space<vmem>>) semaphore(%arg17 : memref<!tpu.dma_semaphore, #tpu.memory_space<semaphore_mem>>) {add = true}
    %dma_start3A_42 = arith.constant 768 : i32
    %dma_start3A_43 = tpu.memref_slice %arg11[%dma_start3A_42] : memref<2560xi32, #tpu.memory_space<vmem>> -> memref<128xi32, #tpu.memory_space<vmem>>
    %dma_start3A_44 = arith.constant 0 : i32
    %dma_start3A_45 = arith.constant 0 : i32
    %dma_start3A_46 = tpu.memref_slice %arg2[%dma_start3A_44, %dma_start3A_45] : memref<100000x128xf32, #tpu.memory_space<hbm>> -> memref<100000x128xf32, #tpu.memory_space<hbm>>
    tpu.enqueue_indirect_dma source(%dma_start3A_46 : memref<100000x128xf32, #tpu.memory_space<hbm>>) target(%arg12 : memref<128x128xf32, #tpu.memory_space<vmem>>) offsets(%dma_start3A_43 : memref<128xi32, #tpu.memory_space<vmem>>) semaphore(%arg17 : memref<!tpu.dma_semaphore, #tpu.memory_space<semaphore_mem>>) {add = true}
    %dma_start3A_47 = arith.constant 896 : i32
    %dma_start3A_48 = tpu.memref_slice %arg11[%dma_start3A_47] : memref<2560xi32, #tpu.memory_space<vmem>> -> memref<128xi32, #tpu.memory_space<vmem>>
    %dma_start3A_49 = arith.constant 0 : i32
    %dma_start3A_50 = arith.constant 0 : i32
    %dma_start3A_51 = tpu.memref_slice %arg2[%dma_start3A_49, %dma_start3A_50] : memref<100000x128xf32, #tpu.memory_space<hbm>> -> memref<100000x128xf32, #tpu.memory_space<hbm>>
    tpu.enqueue_indirect_dma source(%dma_start3A_51 : memref<100000x128xf32, #tpu.memory_space<hbm>>) target(%arg12 : memref<128x128xf32, #tpu.memory_space<vmem>>) offsets(%dma_start3A_48 : memref<128xi32, #tpu.memory_space<vmem>>) semaphore(%arg17 : memref<!tpu.dma_semaphore, #tpu.memory_space<semaphore_mem>>) {add = true}
    %dma_start3A_52 = arith.constant 1024 : i32
    %dma_start3A_53 = tpu.memref_slice %arg11[%dma_start3A_52] : memref<2560xi32, #tpu.memory_space<vmem>> -> memref<128xi32, #tpu.memory_space<vmem>>
    %dma_start3A_54 = arith.constant 0 : i32
    %dma_start3A_55 = arith.constant 0 : i32
    %dma_start3A_56 = tpu.memref_slice %arg2[%dma_start3A_54, %dma_start3A_55] : memref<100000x128xf32, #tpu.memory_space<hbm>> -> memref<100000x128xf32, #tpu.memory_space<hbm>>
    tpu.enqueue_indirect_dma source(%dma_start3A_56 : memref<100000x128xf32, #tpu.memory_space<hbm>>) target(%arg12 : memref<128x128xf32, #tpu.memory_space<vmem>>) offsets(%dma_start3A_53 : memref<128xi32, #tpu.memory_space<vmem>>) semaphore(%arg17 : memref<!tpu.dma_semaphore, #tpu.memory_space<semaphore_mem>>) {add = true}
    %dma_start3A_57 = arith.constant 1152 : i32
    %dma_start3A_58 = tpu.memref_slice %arg11[%dma_start3A_57] : memref<2560xi32, #tpu.memory_space<vmem>> -> memref<128xi32, #tpu.memory_space<vmem>>
    %dma_start3A_59 = arith.constant 0 : i32
    %dma_start3A_60 = arith.constant 0 : i32
    %dma_start3A_61 = tpu.memref_slice %arg2[%dma_start3A_59, %dma_start3A_60] : memref<100000x128xf32, #tpu.memory_space<hbm>> -> memref<100000x128xf32, #tpu.memory_space<hbm>>
    tpu.enqueue_indirect_dma source(%dma_start3A_61 : memref<100000x128xf32, #tpu.memory_space<hbm>>) target(%arg12 : memref<128x128xf32, #tpu.memory_space<vmem>>) offsets(%dma_start3A_58 : memref<128xi32, #tpu.memory_space<vmem>>) semaphore(%arg17 : memref<!tpu.dma_semaphore, #tpu.memory_space<semaphore_mem>>) {add = true}
    %dma_start3A_62 = arith.constant 1280 : i32
    %dma_start3A_63 = tpu.memref_slice %arg11[%dma_start3A_62] : memref<2560xi32, #tpu.memory_space<vmem>> -> memref<128xi32, #tpu.memory_space<vmem>>
    %dma_start3A_64 = arith.constant 0 : i32
    %dma_start3A_65 = arith.constant 0 : i32
    %dma_start3A_66 = tpu.memref_slice %arg2[%dma_start3A_64, %dma_start3A_65] : memref<100000x128xf32, #tpu.memory_space<hbm>> -> memref<100000x128xf32, #tpu.memory_space<hbm>>
    tpu.enqueue_indirect_dma source(%dma_start3A_66 : memref<100000x128xf32, #tpu.memory_space<hbm>>) target(%arg12 : memref<128x128xf32, #tpu.memory_space<vmem>>) offsets(%dma_start3A_63 : memref<128xi32, #tpu.memory_space<vmem>>) semaphore(%arg17 : memref<!tpu.dma_semaphore, #tpu.memory_space<semaphore_mem>>) {add = true}
    %dma_start3A_67 = arith.constant 1408 : i32
    %dma_start3A_68 = tpu.memref_slice %arg11[%dma_start3A_67] : memref<2560xi32, #tpu.memory_space<vmem>> -> memref<128xi32, #tpu.memory_space<vmem>>
    %dma_start3A_69 = arith.constant 0 : i32
    %dma_start3A_70 = arith.constant 0 : i32
    %dma_start3A_71 = tpu.memref_slice %arg2[%dma_start3A_69, %dma_start3A_70] : memref<100000x128xf32, #tpu.memory_space<hbm>> -> memref<100000x128xf32, #tpu.memory_space<hbm>>
    tpu.enqueue_indirect_dma source(%dma_start3A_71 : memref<100000x128xf32, #tpu.memory_space<hbm>>) target(%arg12 : memref<128x128xf32, #tpu.memory_space<vmem>>) offsets(%dma_start3A_68 : memref<128xi32, #tpu.memory_space<vmem>>) semaphore(%arg17 : memref<!tpu.dma_semaphore, #tpu.memory_space<semaphore_mem>>) {add = true}
    %dma_start3A_72 = arith.constant 1536 : i32
    %dma_start3A_73 = tpu.memref_slice %arg11[%dma_start3A_72] : memref<2560xi32, #tpu.memory_space<vmem>> -> memref<128xi32, #tpu.memory_space<vmem>>
    %dma_start3A_74 = arith.constant 0 : i32
    %dma_start3A_75 = arith.constant 0 : i32
    %dma_start3A_76 = tpu.memref_slice %arg2[%dma_start3A_74, %dma_start3A_75] : memref<100000x128xf32, #tpu.memory_space<hbm>> -> memref<100000x128xf32, #tpu.memory_space<hbm>>
    tpu.enqueue_indirect_dma source(%dma_start3A_76 : memref<100000x128xf32, #tpu.memory_space<hbm>>) target(%arg12 : memref<128x128xf32, #tpu.memory_space<vmem>>) offsets(%dma_start3A_73 : memref<128xi32, #tpu.memory_space<vmem>>) semaphore(%arg17 : memref<!tpu.dma_semaphore, #tpu.memory_space<semaphore_mem>>) {add = true}
    %dma_start3A_77 = arith.constant 1664 : i32
    %dma_start3A_78 = tpu.memref_slice %arg11[%dma_start3A_77] : memref<2560xi32, #tpu.memory_space<vmem>> -> memref<128xi32, #tpu.memory_space<vmem>>
    %dma_start3A_79 = arith.constant 0 : i32
    %dma_start3A_80 = arith.constant 0 : i32
    %dma_start3A_81 = tpu.memref_slice %arg2[%dma_start3A_79, %dma_start3A_80] : memref<100000x128xf32, #tpu.memory_space<hbm>> -> memref<100000x128xf32, #tpu.memory_space<hbm>>
    tpu.enqueue_indirect_dma source(%dma_start3A_81 : memref<100000x128xf32, #tpu.memory_space<hbm>>) target(%arg12 : memref<128x128xf32, #tpu.memory_space<vmem>>) offsets(%dma_start3A_78 : memref<128xi32, #tpu.memory_space<vmem>>) semaphore(%arg17 : memref<!tpu.dma_semaphore, #tpu.memory_space<semaphore_mem>>) {add = true}
    %dma_start3A_82 = arith.constant 1792 : i32
    %dma_start3A_83 = tpu.memref_slice %arg11[%dma_start3A_82] : memref<2560xi32, #tpu.memory_space<vmem>> -> memref<128xi32, #tpu.memory_space<vmem>>
    %dma_start3A_84 = arith.constant 0 : i32
    %dma_start3A_85 = arith.constant 0 : i32
    %dma_start3A_86 = tpu.memref_slice %arg2[%dma_start3A_84, %dma_start3A_85] : memref<100000x128xf32, #tpu.memory_space<hbm>> -> memref<100000x128xf32, #tpu.memory_space<hbm>>
    tpu.enqueue_indirect_dma source(%dma_start3A_86 : memref<100000x128xf32, #tpu.memory_space<hbm>>) target(%arg12 : memref<128x128xf32, #tpu.memory_space<vmem>>) offsets(%dma_start3A_83 : memref<128xi32, #tpu.memory_space<vmem>>) semaphore(%arg17 : memref<!tpu.dma_semaphore, #tpu.memory_space<semaphore_mem>>) {add = true}
    %dma_start3A_87 = arith.constant 1920 : i32
    %dma_start3A_88 = tpu.memref_slice %arg11[%dma_start3A_87] : memref<2560xi32, #tpu.memory_space<vmem>> -> memref<128xi32, #tpu.memory_space<vmem>>
    %dma_start3A_89 = arith.constant 0 : i32
    %dma_start3A_90 = arith.constant 0 : i32
    %dma_start3A_91 = tpu.memref_slice %arg2[%dma_start3A_89, %dma_start3A_90] : memref<100000x128xf32, #tpu.memory_space<hbm>> -> memref<100000x128xf32, #tpu.memory_space<hbm>>
    tpu.enqueue_indirect_dma source(%dma_start3A_91 : memref<100000x128xf32, #tpu.memory_space<hbm>>) target(%arg12 : memref<128x128xf32, #tpu.memory_space<vmem>>) offsets(%dma_start3A_88 : memref<128xi32, #tpu.memory_space<vmem>>) semaphore(%arg17 : memref<!tpu.dma_semaphore, #tpu.memory_space<semaphore_mem>>) {add = true}
    %dma_start3A_92 = arith.constant 2048 : i32
    %dma_start3A_93 = tpu.memref_slice %arg11[%dma_start3A_92] : memref<2560xi32, #tpu.memory_space<vmem>> -> memref<128xi32, #tpu.memory_space<vmem>>
    %dma_start3A_94 = arith.constant 0 : i32
    %dma_start3A_95 = arith.constant 0 : i32
    %dma_start3A_96 = tpu.memref_slice %arg2[%dma_start3A_94, %dma_start3A_95] : memref<100000x128xf32, #tpu.memory_space<hbm>> -> memref<100000x128xf32, #tpu.memory_space<hbm>>
    tpu.enqueue_indirect_dma source(%dma_start3A_96 : memref<100000x128xf32, #tpu.memory_space<hbm>>) target(%arg12 : memref<128x128xf32, #tpu.memory_space<vmem>>) offsets(%dma_start3A_93 : memref<128xi32, #tpu.memory_space<vmem>>) semaphore(%arg17 : memref<!tpu.dma_semaphore, #tpu.memory_space<semaphore_mem>>) {add = true}
    %dma_start3A_97 = arith.constant 2176 : i32
    %dma_start3A_98 = tpu.memref_slice %arg11[%dma_start3A_97] : memref<2560xi32, #tpu.memory_space<vmem>> -> memref<128xi32, #tpu.memory_space<vmem>>
    %dma_start3A_99 = arith.constant 0 : i32
    %dma_start3A_100 = arith.constant 0 : i32
    %dma_start3A_101 = tpu.memref_slice %arg2[%dma_start3A_99, %dma_start3A_100] : memref<100000x128xf32, #tpu.memory_space<hbm>> -> memref<100000x128xf32, #tpu.memory_space<hbm>>
    tpu.enqueue_indirect_dma source(%dma_start3A_101 : memref<100000x128xf32, #tpu.memory_space<hbm>>) target(%arg12 : memref<128x128xf32, #tpu.memory_space<vmem>>) offsets(%dma_start3A_98 : memref<128xi32, #tpu.memory_space<vmem>>) semaphore(%arg17 : memref<!tpu.dma_semaphore, #tpu.memory_space<semaphore_mem>>) {add = true}
    %dma_start3A_102 = arith.constant 2304 : i32
    %dma_start3A_103 = tpu.memref_slice %arg11[%dma_start3A_102] : memref<2560xi32, #tpu.memory_space<vmem>> -> memref<128xi32, #tpu.memory_space<vmem>>
    %dma_start3A_104 = arith.constant 0 : i32
    %dma_start3A_105 = arith.constant 0 : i32
    %dma_start3A_106 = tpu.memref_slice %arg2[%dma_start3A_104, %dma_start3A_105] : memref<100000x128xf32, #tpu.memory_space<hbm>> -> memref<100000x128xf32, #tpu.memory_space<hbm>>
    tpu.enqueue_indirect_dma source(%dma_start3A_106 : memref<100000x128xf32, #tpu.memory_space<hbm>>) target(%arg12 : memref<128x128xf32, #tpu.memory_space<vmem>>) offsets(%dma_start3A_103 : memref<128xi32, #tpu.memory_space<vmem>>) semaphore(%arg17 : memref<!tpu.dma_semaphore, #tpu.memory_space<semaphore_mem>>) {add = true}
    %dma_start3A_107 = arith.constant 2432 : i32
    %dma_start3A_108 = tpu.memref_slice %arg11[%dma_start3A_107] : memref<2560xi32, #tpu.memory_space<vmem>> -> memref<128xi32, #tpu.memory_space<vmem>>
    %dma_start3A_109 = arith.constant 0 : i32
    %dma_start3A_110 = arith.constant 0 : i32
    %dma_start3A_111 = tpu.memref_slice %arg2[%dma_start3A_109, %dma_start3A_110] : memref<100000x128xf32, #tpu.memory_space<hbm>> -> memref<100000x128xf32, #tpu.memory_space<hbm>>
    tpu.enqueue_indirect_dma source(%dma_start3A_111 : memref<100000x128xf32, #tpu.memory_space<hbm>>) target(%arg12 : memref<128x128xf32, #tpu.memory_space<vmem>>) offsets(%dma_start3A_108 : memref<128xi32, #tpu.memory_space<vmem>>) semaphore(%arg17 : memref<!tpu.dma_semaphore, #tpu.memory_space<semaphore_mem>>) {add = true}
    %dma_wait3A = arith.constant 0 : i32
    %dma_wait3A_112 = tpu.memref_slice %arg11[%dma_wait3A] : memref<2560xi32, #tpu.memory_space<vmem>> -> memref<128xi32, #tpu.memory_space<vmem>>
    %dma_wait3A_113 = arith.constant 0 : i32
    %dma_wait3A_114 = arith.constant 0 : i32
    %dma_wait3A_115 = tpu.memref_slice %arg2[%dma_wait3A_113, %dma_wait3A_114] : memref<100000x128xf32, #tpu.memory_space<hbm>> -> memref<100000x128xf32, #tpu.memory_space<hbm>>
    tpu.wait_indirect_dma semaphore(%arg17 : memref<!tpu.dma_semaphore, #tpu.memory_space<semaphore_mem>>) src(%dma_wait3A_115 : memref<100000x128xf32, #tpu.memory_space<hbm>>) dst(%arg12 : memref<128x128xf32, #tpu.memory_space<vmem>>)
    %dma_wait3A_116 = arith.constant 128 : i32
    %dma_wait3A_117 = tpu.memref_slice %arg11[%dma_wait3A_116] : memref<2560xi32, #tpu.memory_space<vmem>> -> memref<128xi32, #tpu.memory_space<vmem>>
    %dma_wait3A_118 = arith.constant 0 : i32
    %dma_wait3A_119 = arith.constant 0 : i32
    %dma_wait3A_120 = tpu.memref_slice %arg2[%dma_wait3A_118, %dma_wait3A_119] : memref<100000x128xf32, #tpu.memory_space<hbm>> -> memref<100000x128xf32, #tpu.memory_space<hbm>>
    tpu.wait_indirect_dma semaphore(%arg17 : memref<!tpu.dma_semaphore, #tpu.memory_space<semaphore_mem>>) src(%dma_wait3A_120 : memref<100000x128xf32, #tpu.memory_space<hbm>>) dst(%arg12 : memref<128x128xf32, #tpu.memory_space<vmem>>)
    %dma_wait3A_121 = arith.constant 256 : i32
    %dma_wait3A_122 = tpu.memref_slice %arg11[%dma_wait3A_121] : memref<2560xi32, #tpu.memory_space<vmem>> -> memref<128xi32, #tpu.memory_space<vmem>>
    %dma_wait3A_123 = arith.constant 0 : i32
    %dma_wait3A_124 = arith.constant 0 : i32
    %dma_wait3A_125 = tpu.memref_slice %arg2[%dma_wait3A_123, %dma_wait3A_124] : memref<100000x128xf32, #tpu.memory_space<hbm>> -> memref<100000x128xf32, #tpu.memory_space<hbm>>
    tpu.wait_indirect_dma semaphore(%arg17 : memref<!tpu.dma_semaphore, #tpu.memory_space<semaphore_mem>>) src(%dma_wait3A_125 : memref<100000x128xf32, #tpu.memory_space<hbm>>) dst(%arg12 : memref<128x128xf32, #tpu.memory_space<vmem>>)
    %dma_wait3A_126 = arith.constant 384 : i32
    %dma_wait3A_127 = tpu.memref_slice %arg11[%dma_wait3A_126] : memref<2560xi32, #tpu.memory_space<vmem>> -> memref<128xi32, #tpu.memory_space<vmem>>
    %dma_wait3A_128 = arith.constant 0 : i32
    %dma_wait3A_129 = arith.constant 0 : i32
    %dma_wait3A_130 = tpu.memref_slice %arg2[%dma_wait3A_128, %dma_wait3A_129] : memref<100000x128xf32, #tpu.memory_space<hbm>> -> memref<100000x128xf32, #tpu.memory_space<hbm>>
    tpu.wait_indirect_dma semaphore(%arg17 : memref<!tpu.dma_semaphore, #tpu.memory_space<semaphore_mem>>) src(%dma_wait3A_130 : memref<100000x128xf32, #tpu.memory_space<hbm>>) dst(%arg12 : memref<128x128xf32, #tpu.memory_space<vmem>>)
    %dma_wait3A_131 = arith.constant 512 : i32
    %dma_wait3A_132 = tpu.memref_slice %arg11[%dma_wait3A_131] : memref<2560xi32, #tpu.memory_space<vmem>> -> memref<128xi32, #tpu.memory_space<vmem>>
    %dma_wait3A_133 = arith.constant 0 : i32
    %dma_wait3A_134 = arith.constant 0 : i32
    %dma_wait3A_135 = tpu.memref_slice %arg2[%dma_wait3A_133, %dma_wait3A_134] : memref<100000x128xf32, #tpu.memory_space<hbm>> -> memref<100000x128xf32, #tpu.memory_space<hbm>>
    tpu.wait_indirect_dma semaphore(%arg17 : memref<!tpu.dma_semaphore, #tpu.memory_space<semaphore_mem>>) src(%dma_wait3A_135 : memref<100000x128xf32, #tpu.memory_space<hbm>>) dst(%arg12 : memref<128x128xf32, #tpu.memory_space<vmem>>)
    %dma_wait3A_136 = arith.constant 640 : i32
    %dma_wait3A_137 = tpu.memref_slice %arg11[%dma_wait3A_136] : memref<2560xi32, #tpu.memory_space<vmem>> -> memref<128xi32, #tpu.memory_space<vmem>>
    %dma_wait3A_138 = arith.constant 0 : i32
    %dma_wait3A_139 = arith.constant 0 : i32
    %dma_wait3A_140 = tpu.memref_slice %arg2[%dma_wait3A_138, %dma_wait3A_139] : memref<100000x128xf32, #tpu.memory_space<hbm>> -> memref<100000x128xf32, #tpu.memory_space<hbm>>
    tpu.wait_indirect_dma semaphore(%arg17 : memref<!tpu.dma_semaphore, #tpu.memory_space<semaphore_mem>>) src(%dma_wait3A_140 : memref<100000x128xf32, #tpu.memory_space<hbm>>) dst(%arg12 : memref<128x128xf32, #tpu.memory_space<vmem>>)
    %dma_wait3A_141 = arith.constant 768 : i32
    %dma_wait3A_142 = tpu.memref_slice %arg11[%dma_wait3A_141] : memref<2560xi32, #tpu.memory_space<vmem>> -> memref<128xi32, #tpu.memory_space<vmem>>
    %dma_wait3A_143 = arith.constant 0 : i32
    %dma_wait3A_144 = arith.constant 0 : i32
    %dma_wait3A_145 = tpu.memref_slice %arg2[%dma_wait3A_143, %dma_wait3A_144] : memref<100000x128xf32, #tpu.memory_space<hbm>> -> memref<100000x128xf32, #tpu.memory_space<hbm>>
    tpu.wait_indirect_dma semaphore(%arg17 : memref<!tpu.dma_semaphore, #tpu.memory_space<semaphore_mem>>) src(%dma_wait3A_145 : memref<100000x128xf32, #tpu.memory_space<hbm>>) dst(%arg12 : memref<128x128xf32, #tpu.memory_space<vmem>>)
    %dma_wait3A_146 = arith.constant 896 : i32
    %dma_wait3A_147 = tpu.memref_slice %arg11[%dma_wait3A_146] : memref<2560xi32, #tpu.memory_space<vmem>> -> memref<128xi32, #tpu.memory_space<vmem>>
    %dma_wait3A_148 = arith.constant 0 : i32
    %dma_wait3A_149 = arith.constant 0 : i32
    %dma_wait3A_150 = tpu.memref_slice %arg2[%dma_wait3A_148, %dma_wait3A_149] : memref<100000x128xf32, #tpu.memory_space<hbm>> -> memref<100000x128xf32, #tpu.memory_space<hbm>>
    tpu.wait_indirect_dma semaphore(%arg17 : memref<!tpu.dma_semaphore, #tpu.memory_space<semaphore_mem>>) src(%dma_wait3A_150 : memref<100000x128xf32, #tpu.memory_space<hbm>>) dst(%arg12 : memref<128x128xf32, #tpu.memory_space<vmem>>)
    %dma_wait3A_151 = arith.constant 1024 : i32
    %dma_wait3A_152 = tpu.memref_slice %arg11[%dma_wait3A_151] : memref<2560xi32, #tpu.memory_space<vmem>> -> memref<128xi32, #tpu.memory_space<vmem>>
    %dma_wait3A_153 = arith.constant 0 : i32
    %dma_wait3A_154 = arith.constant 0 : i32
    %dma_wait3A_155 = tpu.memref_slice %arg2[%dma_wait3A_153, %dma_wait3A_154] : memref<100000x128xf32, #tpu.memory_space<hbm>> -> memref<100000x128xf32, #tpu.memory_space<hbm>>
    tpu.wait_indirect_dma semaphore(%arg17 : memref<!tpu.dma_semaphore, #tpu.memory_space<semaphore_mem>>) src(%dma_wait3A_155 : memref<100000x128xf32, #tpu.memory_space<hbm>>) dst(%arg12 : memref<128x128xf32, #tpu.memory_space<vmem>>)
    %dma_wait3A_156 = arith.constant 1152 : i32
    %dma_wait3A_157 = tpu.memref_slice %arg11[%dma_wait3A_156] : memref<2560xi32, #tpu.memory_space<vmem>> -> memref<128xi32, #tpu.memory_space<vmem>>
    %dma_wait3A_158 = arith.constant 0 : i32
    %dma_wait3A_159 = arith.constant 0 : i32
    %dma_wait3A_160 = tpu.memref_slice %arg2[%dma_wait3A_158, %dma_wait3A_159] : memref<100000x128xf32, #tpu.memory_space<hbm>> -> memref<100000x128xf32, #tpu.memory_space<hbm>>
    tpu.wait_indirect_dma semaphore(%arg17 : memref<!tpu.dma_semaphore, #tpu.memory_space<semaphore_mem>>) src(%dma_wait3A_160 : memref<100000x128xf32, #tpu.memory_space<hbm>>) dst(%arg12 : memref<128x128xf32, #tpu.memory_space<vmem>>)
    %dma_wait3A_161 = arith.constant 1280 : i32
    %dma_wait3A_162 = tpu.memref_slice %arg11[%dma_wait3A_161] : memref<2560xi32, #tpu.memory_space<vmem>> -> memref<128xi32, #tpu.memory_space<vmem>>
    %dma_wait3A_163 = arith.constant 0 : i32
    %dma_wait3A_164 = arith.constant 0 : i32
    %dma_wait3A_165 = tpu.memref_slice %arg2[%dma_wait3A_163, %dma_wait3A_164] : memref<100000x128xf32, #tpu.memory_space<hbm>> -> memref<100000x128xf32, #tpu.memory_space<hbm>>
    tpu.wait_indirect_dma semaphore(%arg17 : memref<!tpu.dma_semaphore, #tpu.memory_space<semaphore_mem>>) src(%dma_wait3A_165 : memref<100000x128xf32, #tpu.memory_space<hbm>>) dst(%arg12 : memref<128x128xf32, #tpu.memory_space<vmem>>)
    %dma_wait3A_166 = arith.constant 1408 : i32
    %dma_wait3A_167 = tpu.memref_slice %arg11[%dma_wait3A_166] : memref<2560xi32, #tpu.memory_space<vmem>> -> memref<128xi32, #tpu.memory_space<vmem>>
    %dma_wait3A_168 = arith.constant 0 : i32
    %dma_wait3A_169 = arith.constant 0 : i32
    %dma_wait3A_170 = tpu.memref_slice %arg2[%dma_wait3A_168, %dma_wait3A_169] : memref<100000x128xf32, #tpu.memory_space<hbm>> -> memref<100000x128xf32, #tpu.memory_space<hbm>>
    tpu.wait_indirect_dma semaphore(%arg17 : memref<!tpu.dma_semaphore, #tpu.memory_space<semaphore_mem>>) src(%dma_wait3A_170 : memref<100000x128xf32, #tpu.memory_space<hbm>>) dst(%arg12 : memref<128x128xf32, #tpu.memory_space<vmem>>)
    %dma_wait3A_171 = arith.constant 1536 : i32
    %dma_wait3A_172 = tpu.memref_slice %arg11[%dma_wait3A_171] : memref<2560xi32, #tpu.memory_space<vmem>> -> memref<128xi32, #tpu.memory_space<vmem>>
    %dma_wait3A_173 = arith.constant 0 : i32
    %dma_wait3A_174 = arith.constant 0 : i32
    %dma_wait3A_175 = tpu.memref_slice %arg2[%dma_wait3A_173, %dma_wait3A_174] : memref<100000x128xf32, #tpu.memory_space<hbm>> -> memref<100000x128xf32, #tpu.memory_space<hbm>>
    tpu.wait_indirect_dma semaphore(%arg17 : memref<!tpu.dma_semaphore, #tpu.memory_space<semaphore_mem>>) src(%dma_wait3A_175 : memref<100000x128xf32, #tpu.memory_space<hbm>>) dst(%arg12 : memref<128x128xf32, #tpu.memory_space<vmem>>)
    %dma_wait3A_176 = arith.constant 1664 : i32
    %dma_wait3A_177 = tpu.memref_slice %arg11[%dma_wait3A_176] : memref<2560xi32, #tpu.memory_space<vmem>> -> memref<128xi32, #tpu.memory_space<vmem>>
    %dma_wait3A_178 = arith.constant 0 : i32
    %dma_wait3A_179 = arith.constant 0 : i32
    %dma_wait3A_180 = tpu.memref_slice %arg2[%dma_wait3A_178, %dma_wait3A_179] : memref<100000x128xf32, #tpu.memory_space<hbm>> -> memref<100000x128xf32, #tpu.memory_space<hbm>>
    tpu.wait_indirect_dma semaphore(%arg17 : memref<!tpu.dma_semaphore, #tpu.memory_space<semaphore_mem>>) src(%dma_wait3A_180 : memref<100000x128xf32, #tpu.memory_space<hbm>>) dst(%arg12 : memref<128x128xf32, #tpu.memory_space<vmem>>)
    %dma_wait3A_181 = arith.constant 1792 : i32
    %dma_wait3A_182 = tpu.memref_slice %arg11[%dma_wait3A_181] : memref<2560xi32, #tpu.memory_space<vmem>> -> memref<128xi32, #tpu.memory_space<vmem>>
    %dma_wait3A_183 = arith.constant 0 : i32
    %dma_wait3A_184 = arith.constant 0 : i32
    %dma_wait3A_185 = tpu.memref_slice %arg2[%dma_wait3A_183, %dma_wait3A_184] : memref<100000x128xf32, #tpu.memory_space<hbm>> -> memref<100000x128xf32, #tpu.memory_space<hbm>>
    tpu.wait_indirect_dma semaphore(%arg17 : memref<!tpu.dma_semaphore, #tpu.memory_space<semaphore_mem>>) src(%dma_wait3A_185 : memref<100000x128xf32, #tpu.memory_space<hbm>>) dst(%arg12 : memref<128x128xf32, #tpu.memory_space<vmem>>)
    %dma_wait3A_186 = arith.constant 1920 : i32
    %dma_wait3A_187 = tpu.memref_slice %arg11[%dma_wait3A_186] : memref<2560xi32, #tpu.memory_space<vmem>> -> memref<128xi32, #tpu.memory_space<vmem>>
    %dma_wait3A_188 = arith.constant 0 : i32
    %dma_wait3A_189 = arith.constant 0 : i32
    %dma_wait3A_190 = tpu.memref_slice %arg2[%dma_wait3A_188, %dma_wait3A_189] : memref<100000x128xf32, #tpu.memory_space<hbm>> -> memref<100000x128xf32, #tpu.memory_space<hbm>>
    tpu.wait_indirect_dma semaphore(%arg17 : memref<!tpu.dma_semaphore, #tpu.memory_space<semaphore_mem>>) src(%dma_wait3A_190 : memref<100000x128xf32, #tpu.memory_space<hbm>>) dst(%arg12 : memref<128x128xf32, #tpu.memory_space<vmem>>)
    %dma_wait3A_191 = arith.constant 2048 : i32
    %dma_wait3A_192 = tpu.memref_slice %arg11[%dma_wait3A_191] : memref<2560xi32, #tpu.memory_space<vmem>> -> memref<128xi32, #tpu.memory_space<vmem>>
    %dma_wait3A_193 = arith.constant 0 : i32
    %dma_wait3A_194 = arith.constant 0 : i32
    %dma_wait3A_195 = tpu.memref_slice %arg2[%dma_wait3A_193, %dma_wait3A_194] : memref<100000x128xf32, #tpu.memory_space<hbm>> -> memref<100000x128xf32, #tpu.memory_space<hbm>>
    tpu.wait_indirect_dma semaphore(%arg17 : memref<!tpu.dma_semaphore, #tpu.memory_space<semaphore_mem>>) src(%dma_wait3A_195 : memref<100000x128xf32, #tpu.memory_space<hbm>>) dst(%arg12 : memref<128x128xf32, #tpu.memory_space<vmem>>)
    %dma_wait3A_196 = arith.constant 2176 : i32
    %dma_wait3A_197 = tpu.memref_slice %arg11[%dma_wait3A_196] : memref<2560xi32, #tpu.memory_space<vmem>> -> memref<128xi32, #tpu.memory_space<vmem>>
    %dma_wait3A_198 = arith.constant 0 : i32
    %dma_wait3A_199 = arith.constant 0 : i32
    %dma_wait3A_200 = tpu.memref_slice %arg2[%dma_wait3A_198, %dma_wait3A_199] : memref<100000x128xf32, #tpu.memory_space<hbm>> -> memref<100000x128xf32, #tpu.memory_space<hbm>>
    tpu.wait_indirect_dma semaphore(%arg17 : memref<!tpu.dma_semaphore, #tpu.memory_space<semaphore_mem>>) src(%dma_wait3A_200 : memref<100000x128xf32, #tpu.memory_space<hbm>>) dst(%arg12 : memref<128x128xf32, #tpu.memory_space<vmem>>)
    %dma_wait3A_201 = arith.constant 2304 : i32
    %dma_wait3A_202 = tpu.memref_slice %arg11[%dma_wait3A_201] : memref<2560xi32, #tpu.memory_space<vmem>> -> memref<128xi32, #tpu.memory_space<vmem>>
    %dma_wait3A_203 = arith.constant 0 : i32
    %dma_wait3A_204 = arith.constant 0 : i32
    %dma_wait3A_205 = tpu.memref_slice %arg2[%dma_wait3A_203, %dma_wait3A_204] : memref<100000x128xf32, #tpu.memory_space<hbm>> -> memref<100000x128xf32, #tpu.memory_space<hbm>>
    tpu.wait_indirect_dma semaphore(%arg17 : memref<!tpu.dma_semaphore, #tpu.memory_space<semaphore_mem>>) src(%dma_wait3A_205 : memref<100000x128xf32, #tpu.memory_space<hbm>>) dst(%arg12 : memref<128x128xf32, #tpu.memory_space<vmem>>)
    %dma_wait3A_206 = arith.constant 2432 : i32
    %dma_wait3A_207 = tpu.memref_slice %arg11[%dma_wait3A_206] : memref<2560xi32, #tpu.memory_space<vmem>> -> memref<128xi32, #tpu.memory_space<vmem>>
    %dma_wait3A_208 = arith.constant 0 : i32
    %dma_wait3A_209 = arith.constant 0 : i32
    %dma_wait3A_210 = tpu.memref_slice %arg2[%dma_wait3A_208, %dma_wait3A_209] : memref<100000x128xf32, #tpu.memory_space<hbm>> -> memref<100000x128xf32, #tpu.memory_space<hbm>>
    tpu.wait_indirect_dma semaphore(%arg17 : memref<!tpu.dma_semaphore, #tpu.memory_space<semaphore_mem>>) src(%dma_wait3A_210 : memref<100000x128xf32, #tpu.memory_space<hbm>>) dst(%arg12 : memref<128x128xf32, #tpu.memory_space<vmem>>)
    %dma_start3A_211 = arith.constant 0 : i32
    %dma_start3A_212 = tpu.memref_slice %arg8[%mul3A_2, %dma_start3A_211] : memref<4096x128xf32, #tpu.memory_space<hbm>> -> memref<128x128xf32, #tpu.memory_space<hbm>>
    %dma_start3A_213 = arith.constant 0 : i32
    %dma_start3A_214 = tpu.memref_slice %arg8[%mul3A_2, %dma_start3A_213] : memref<4096x128xf32, #tpu.memory_space<hbm>> -> memref<128x128xf32, #tpu.memory_space<hbm>>
    tpu.enqueue_dma source(%arg12 : memref<128x128xf32, #tpu.memory_space<vmem>>) target(%dma_start3A_214 : memref<128x128xf32, #tpu.memory_space<hbm>>) target_semaphore(%arg19 : memref<!tpu.dma_semaphore, #tpu.memory_space<semaphore_mem>>)
    %dma_wait3A_215 = arith.constant 0 : i32
    %dma_wait3A_216 = arith.constant 0 : i32
    %dma_wait3A_217 = tpu.memref_slice %arg2[%dma_wait3A_215, %dma_wait3A_216] : memref<100000x128xf32, #tpu.memory_space<hbm>> -> memref<100000x128xf32, #tpu.memory_space<hbm>>
    tpu.wait_indirect_dma semaphore(%arg18 : memref<!tpu.dma_semaphore, #tpu.memory_space<semaphore_mem>>) src(%dma_wait3A_217 : memref<100000x128xf32, #tpu.memory_space<hbm>>) dst(%arg15 : memref<128x128xf32, #tpu.memory_space<vmem>>)
    %dma_start3A_218 = arith.constant 0 : i32
    %dma_start3A_219 = tpu.memref_slice %arg9[%mul3A_2, %dma_start3A_218] : memref<4096x128xf32, #tpu.memory_space<hbm>> -> memref<128x128xf32, #tpu.memory_space<hbm>>
    %dma_start3A_220 = arith.constant 0 : i32
    %dma_start3A_221 = tpu.memref_slice %arg9[%mul3A_2, %dma_start3A_220] : memref<4096x128xf32, #tpu.memory_space<hbm>> -> memref<128x128xf32, #tpu.memory_space<hbm>>
    tpu.enqueue_dma source(%arg15 : memref<128x128xf32, #tpu.memory_space<vmem>>) target(%dma_start3A_221 : memref<128x128xf32, #tpu.memory_space<hbm>>) target_semaphore(%arg19 : memref<!tpu.dma_semaphore, #tpu.memory_space<semaphore_mem>>)
    %dma_wait3A_222 = arith.constant 0 : i32
    %dma_wait3A_223 = arith.constant 0 : i32
    %dma_wait3A_224 = tpu.memref_slice %arg6[%dma_wait3A_222, %dma_wait3A_223] : memref<782x128xf32, #tpu.memory_space<hbm>> -> memref<782x128xf32, #tpu.memory_space<hbm>>
    tpu.wait_indirect_dma semaphore(%arg18 : memref<!tpu.dma_semaphore, #tpu.memory_space<semaphore_mem>>) src(%dma_wait3A_224 : memref<782x128xf32, #tpu.memory_space<hbm>>) dst(%arg16 : memref<128x128xf32, #tpu.memory_space<vmem>>)
    %dma_start3A_225 = arith.constant 0 : i32
    %dma_start3A_226 = tpu.memref_slice %arg10[%mul3A_2, %dma_start3A_225] : memref<4096x128xf32, #tpu.memory_space<hbm>> -> memref<128x128xf32, #tpu.memory_space<hbm>>
    %dma_start3A_227 = arith.constant 0 : i32
    %dma_start3A_228 = tpu.memref_slice %arg10[%mul3A_2, %dma_start3A_227] : memref<4096x128xf32, #tpu.memory_space<hbm>> -> memref<128x128xf32, #tpu.memory_space<hbm>>
    tpu.enqueue_dma source(%arg16 : memref<128x128xf32, #tpu.memory_space<vmem>>) target(%dma_start3A_228 : memref<128x128xf32, #tpu.memory_space<hbm>>) target_semaphore(%arg19 : memref<!tpu.dma_semaphore, #tpu.memory_space<semaphore_mem>>)
    %dma_wait3A_229 = arith.constant 0 : i32
    %dma_wait3A_230 = tpu.memref_slice %arg8[%mul3A_2, %dma_wait3A_229] : memref<4096x128xf32, #tpu.memory_space<hbm>> -> memref<128x128xf32, #tpu.memory_space<hbm>>
    %dma_wait3A_231 = arith.constant 0 : i32
    %dma_wait3A_232 = tpu.memref_slice %arg8[%mul3A_2, %dma_wait3A_231] : memref<4096x128xf32, #tpu.memory_space<hbm>> -> memref<128x128xf32, #tpu.memory_space<hbm>>
    tpu.wait_dma2 semaphore(%arg19 : memref<!tpu.dma_semaphore, #tpu.memory_space<semaphore_mem>>) src(%arg12 : memref<128x128xf32, #tpu.memory_space<vmem>>) dst(%dma_wait3A_232 : memref<128x128xf32, #tpu.memory_space<hbm>>)
    %dma_wait3A_233 = arith.constant 0 : i32
    %dma_wait3A_234 = tpu.memref_slice %arg9[%mul3A_2, %dma_wait3A_233] : memref<4096x128xf32, #tpu.memory_space<hbm>> -> memref<128x128xf32, #tpu.memory_space<hbm>>
    %dma_wait3A_235 = arith.constant 0 : i32
    %dma_wait3A_236 = tpu.memref_slice %arg9[%mul3A_2, %dma_wait3A_235] : memref<4096x128xf32, #tpu.memory_space<hbm>> -> memref<128x128xf32, #tpu.memory_space<hbm>>
    tpu.wait_dma2 semaphore(%arg19 : memref<!tpu.dma_semaphore, #tpu.memory_space<semaphore_mem>>) src(%arg15 : memref<128x128xf32, #tpu.memory_space<vmem>>) dst(%dma_wait3A_236 : memref<128x128xf32, #tpu.memory_space<hbm>>)
    %dma_wait3A_237 = arith.constant 0 : i32
    %dma_wait3A_238 = tpu.memref_slice %arg10[%mul3A_2, %dma_wait3A_237] : memref<4096x128xf32, #tpu.memory_space<hbm>> -> memref<128x128xf32, #tpu.memory_space<hbm>>
    %dma_wait3A_239 = arith.constant 0 : i32
    %dma_wait3A_240 = tpu.memref_slice %arg10[%mul3A_2, %dma_wait3A_239] : memref<4096x128xf32, #tpu.memory_space<hbm>> -> memref<128x128xf32, #tpu.memory_space<hbm>>
    tpu.wait_dma2 semaphore(%arg19 : memref<!tpu.dma_semaphore, #tpu.memory_space<semaphore_mem>>) src(%arg16 : memref<128x128xf32, #tpu.memory_space<vmem>>) dst(%dma_wait3A_240 : memref<128x128xf32, #tpu.memory_space<hbm>>)
    return
  }
}

module attributes {stable_mosaic.version = 14 : i64} {
  func.func @_tc_body(%arg0: i32, %arg1: memref<4096x128xf32, #tpu.memory_space<vmem>>, %arg2: memref<4096x128xf32, #tpu.memory_space<vmem>>, %arg3: memref<4096x128xf32, #tpu.memory_space<vmem>>, %arg4: memref<4096x128xf32, #tpu.memory_space<vmem>>, %arg5: memref<80x2048xbf16, #tpu.memory_space<vmem>>, %arg6: memref<1x1xf32, #tpu.memory_space<vmem>>, %arg7: memref<4096x80xbf16, #tpu.memory_space<vmem>>, %arg8: memref<4096x1xf32, #tpu.memory_space<vmem>>, %arg9: memref<4096x128xf32, #tpu.memory_space<vmem>>) attributes {dimension_semantics = [#tpu.dimension_semantics<arbitrary>], iteration_bounds = array<i64: 49>, scalar_prefetch = 0 : i64, scratch_operands = 3 : i64, tpu.core_type = #tpu.core_type<tc>, window_params = [{pipeline_mode = #tpu.pipeline_mode<synchronous>, transform_indices = @transform_0, window_bounds = array<i64: 4096, 128>}, {pipeline_mode = #tpu.pipeline_mode<synchronous>, transform_indices = @transform_1, window_bounds = array<i64: 4096, 128>}, {pipeline_mode = #tpu.pipeline_mode<synchronous>, transform_indices = @transform_2, window_bounds = array<i64: 4096, 128>}, {pipeline_mode = #tpu.pipeline_mode<synchronous>, transform_indices = @transform_3, window_bounds = array<i64: 4096, 128>}, {transform_indices = @transform_4, window_bounds = array<i64: 80, 2048>}, {pipeline_mode = #tpu.pipeline_mode<synchronous>, transform_indices = @transform_5, window_bounds = array<i64: 1, 1>}]} {
    %eq3A = arith.constant 0 : i32
    %eq3A_0 = arith.cmpi eq, %arg0, %eq3A : i32
    %convert_element_type3A = arith.extui %eq3A_0 : i1 to i32
    %cond3A = arith.constant 0 : i32
    %cond3A_1 = arith.cmpi ne, %convert_element_type3A, %cond3A : i32
    scf.if %cond3A_1 {
      %get3A_48 = arith.constant 0 : index
      %get3A_49 = arith.constant 0 : index
      %get3A_50 = vector.load %arg1[%get3A_48, %get3A_49] : memref<4096x128xf32, #tpu.memory_space<vmem>>, vector<4096x64xf32>
      %broadcast_in_dim3A = arith.constant 1.000000e+00 : f32
      %broadcast_in_dim3A_51 = vector.broadcast %broadcast_in_dim3A : f32 to vector<4096x1xf32>
      %broadcast_in_dim3A_52 = arith.constant 0.000000e+00 : f32
      %broadcast_in_dim3A_53 = vector.broadcast %broadcast_in_dim3A_52 : f32 to vector<4096x15xf32>
      %concatenate3A = tpu.concatenate %get3A_50, %broadcast_in_dim3A_51, %broadcast_in_dim3A_53 in 1 : vector<4096x64xf32>, vector<4096x1xf32>, vector<4096x15xf32> -> vector<4096x80xf32>
      %convert_element_type3A_54 = arith.truncf %concatenate3A : vector<4096x80xf32> to vector<4096x80xbf16>
      %swap3A_55 = arith.constant 0 : index
      %swap3A_56 = arith.constant 0 : index
      %swap3A_57 = vector.load %arg7[%swap3A_55, %swap3A_56] : memref<4096x80xbf16, #tpu.memory_space<vmem>>, vector<4096x80xbf16>
      tpu.vector_store %arg7[%swap3A_55, %swap3A_56], %convert_element_type3A_54 {strides = array<i32>} : memref<4096x80xbf16, #tpu.memory_space<vmem>>, vector<4096x80xbf16>,
      %get3A_58 = arith.constant 0 : index
      %get3A_59 = arith.constant 64 : index
      %get3A_60 = vector.load %arg2[%get3A_58, %get3A_59] : memref<4096x128xf32, #tpu.memory_space<vmem>>, vector<4096x64xf32>
      %mul3A = arith.mulf %get3A_50, %get3A_60 : vector<4096x64xf32>
      %reduce_sum3A = arith.constant dense<0.000000e+00> : vector<4096xf32>
      %reduce_sum3A_61 = vector.multi_reduction <add>, %mul3A, %reduce_sum3A [1] : vector<4096x64xf32> to vector<4096xf32>
      %broadcast_in_dim3A_62 = vector.shape_cast %reduce_sum3A_61 : vector<4096xf32> to vector<4096x1xf32>
      %get3A_63 = arith.constant 0 : index
      %get3A_64 = arith.constant 0 : index
      %get3A_65 = vector.load %arg3[%get3A_63, %get3A_64] : memref<4096x128xf32, #tpu.memory_space<vmem>>, vector<4096x128xf32>
      %get3A_66 = arith.constant 0 : index
      %get3A_67 = arith.constant 0 : index
      %get3A_68 = vector.load %arg4[%get3A_66, %get3A_67] : memref<4096x128xf32, #tpu.memory_space<vmem>>, vector<4096x128xf32>
      %mul3A_69 = arith.mulf %get3A_65, %get3A_68 : vector<4096x128xf32>
      %reduce_sum3A_70 = arith.constant dense<0.000000e+00> : vector<4096xf32>
      %reduce_sum3A_71 = vector.multi_reduction <add>, %mul3A_69, %reduce_sum3A_70 [1] : vector<4096x128xf32> to vector<4096xf32>
      %broadcast_in_dim3A_72 = vector.shape_cast %reduce_sum3A_71 : vector<4096xf32> to vector<4096x1xf32>
      %add3A_73 = arith.addf %broadcast_in_dim3A_62, %broadcast_in_dim3A_72 : vector<4096x1xf32>
      %swap3A_74 = arith.constant 0 : index
      %swap3A_75 = arith.constant 0 : index
      %swap3A_76 = vector.load %arg8[%swap3A_74, %swap3A_75] : memref<4096x1xf32, #tpu.memory_space<vmem>>, vector<4096x1xf32>
      tpu.vector_store %arg8[%swap3A_74, %swap3A_75], %add3A_73 {strides = array<i32>} : memref<4096x1xf32, #tpu.memory_space<vmem>>, vector<4096x1xf32>,
      %broadcast_in_dim3A_77 = arith.constant 0.000000e+00 : f32
      %broadcast_in_dim3A_78 = vector.broadcast %broadcast_in_dim3A_77 : f32 to vector<4096x128xf32>
      %swap3A_79 = arith.constant 0 : index
      %swap3A_80 = arith.constant 0 : index
      %swap3A_81 = vector.load %arg9[%swap3A_79, %swap3A_80] : memref<4096x128xf32, #tpu.memory_space<vmem>>, vector<4096x128xf32>
      tpu.vector_store %arg9[%swap3A_79, %swap3A_80], %broadcast_in_dim3A_78 {strides = array<i32>} : memref<4096x128xf32, #tpu.memory_space<vmem>>, vector<4096x128xf32>,
    } else {
    }
    %get3A = arith.constant 0 : index
    %get3A_2 = arith.constant 0 : index
    %get3A_3 = vector.load %arg7[%get3A, %get3A_2] : memref<4096x80xbf16, #tpu.memory_space<vmem>>, vector<4096x80xbf16>
    %get3A_4 = arith.constant 0 : index
    %get3A_5 = arith.constant 0 : index
    %get3A_6 = vector.load %arg5[%get3A_4, %get3A_5] : memref<80x2048xbf16, #tpu.memory_space<vmem>>, vector<80x2048xbf16>
    %dot_general3A = arith.constant dense<0.000000e+00> : vector<4096x2048xf32>
    %dot_general3A_7 = tpu.matmul %get3A_3, %get3A_6, %dot_general3A {dimension_numbers = #tpu.dot_dimension_numbers<[1], [0], [0], [1], [0, 0, 1, 1], [], []>, transpose_lhs_hint = false} : vector<4096x80xbf16>, vector<80x2048xbf16>, vector<4096x2048xf32> -> vector<4096x2048xf32>
    %exp23A = math.exp2 %dot_general3A_7 : vector<4096x2048xf32>
    %slice3A = vector.extract_strided_slice %exp23A {offsets = [0, 0], sizes = [4096, 128], strides = [1, 1]} : vector<4096x2048xf32> to vector<4096x128xf32>
    %slice3A_8 = vector.extract_strided_slice %exp23A {offsets = [0, 128], sizes = [4096, 128], strides = [1, 1]} : vector<4096x2048xf32> to vector<4096x128xf32>
    %add3A = arith.addf %slice3A, %slice3A_8 : vector<4096x128xf32>
    %slice3A_9 = vector.extract_strided_slice %exp23A {offsets = [0, 256], sizes = [4096, 128], strides = [1, 1]} : vector<4096x2048xf32> to vector<4096x128xf32>
    %add3A_10 = arith.addf %add3A, %slice3A_9 : vector<4096x128xf32>
    %slice3A_11 = vector.extract_strided_slice %exp23A {offsets = [0, 384], sizes = [4096, 128], strides = [1, 1]} : vector<4096x2048xf32> to vector<4096x128xf32>
    %add3A_12 = arith.addf %add3A_10, %slice3A_11 : vector<4096x128xf32>
    %slice3A_13 = vector.extract_strided_slice %exp23A {offsets = [0, 512], sizes = [4096, 128], strides = [1, 1]} : vector<4096x2048xf32> to vector<4096x128xf32>
    %add3A_14 = arith.addf %add3A_12, %slice3A_13 : vector<4096x128xf32>
    %slice3A_15 = vector.extract_strided_slice %exp23A {offsets = [0, 640], sizes = [4096, 128], strides = [1, 1]} : vector<4096x2048xf32> to vector<4096x128xf32>
    %add3A_16 = arith.addf %add3A_14, %slice3A_15 : vector<4096x128xf32>
    %slice3A_17 = vector.extract_strided_slice %exp23A {offsets = [0, 768], sizes = [4096, 128], strides = [1, 1]} : vector<4096x2048xf32> to vector<4096x128xf32>
    %add3A_18 = arith.addf %add3A_16, %slice3A_17 : vector<4096x128xf32>
    %slice3A_19 = vector.extract_strided_slice %exp23A {offsets = [0, 896], sizes = [4096, 128], strides = [1, 1]} : vector<4096x2048xf32> to vector<4096x128xf32>
    %add3A_20 = arith.addf %add3A_18, %slice3A_19 : vector<4096x128xf32>
    %slice3A_21 = vector.extract_strided_slice %exp23A {offsets = [0, 1024], sizes = [4096, 128], strides = [1, 1]} : vector<4096x2048xf32> to vector<4096x128xf32>
    %add3A_22 = arith.addf %add3A_20, %slice3A_21 : vector<4096x128xf32>
    %slice3A_23 = vector.extract_strided_slice %exp23A {offsets = [0, 1152], sizes = [4096, 128], strides = [1, 1]} : vector<4096x2048xf32> to vector<4096x128xf32>
    %add3A_24 = arith.addf %add3A_22, %slice3A_23 : vector<4096x128xf32>
    %slice3A_25 = vector.extract_strided_slice %exp23A {offsets = [0, 1280], sizes = [4096, 128], strides = [1, 1]} : vector<4096x2048xf32> to vector<4096x128xf32>
    %add3A_26 = arith.addf %add3A_24, %slice3A_25 : vector<4096x128xf32>
    %slice3A_27 = vector.extract_strided_slice %exp23A {offsets = [0, 1408], sizes = [4096, 128], strides = [1, 1]} : vector<4096x2048xf32> to vector<4096x128xf32>
    %add3A_28 = arith.addf %add3A_26, %slice3A_27 : vector<4096x128xf32>
    %slice3A_29 = vector.extract_strided_slice %exp23A {offsets = [0, 1536], sizes = [4096, 128], strides = [1, 1]} : vector<4096x2048xf32> to vector<4096x128xf32>
    %add3A_30 = arith.addf %add3A_28, %slice3A_29 : vector<4096x128xf32>
    %slice3A_31 = vector.extract_strided_slice %exp23A {offsets = [0, 1664], sizes = [4096, 128], strides = [1, 1]} : vector<4096x2048xf32> to vector<4096x128xf32>
    %add3A_32 = arith.addf %add3A_30, %slice3A_31 : vector<4096x128xf32>
    %slice3A_33 = vector.extract_strided_slice %exp23A {offsets = [0, 1792], sizes = [4096, 128], strides = [1, 1]} : vector<4096x2048xf32> to vector<4096x128xf32>
    %add3A_34 = arith.addf %add3A_32, %slice3A_33 : vector<4096x128xf32>
    %slice3A_35 = vector.extract_strided_slice %exp23A {offsets = [0, 1920], sizes = [4096, 128], strides = [1, 1]} : vector<4096x2048xf32> to vector<4096x128xf32>
    %add3A_36 = arith.addf %add3A_34, %slice3A_35 : vector<4096x128xf32>
    %get3A_37 = arith.constant 0 : index
    %get3A_38 = arith.constant 0 : index
    %get3A_39 = vector.load %arg9[%get3A_37, %get3A_38] : memref<4096x128xf32, #tpu.memory_space<vmem>>, vector<4096x128xf32>
    %add3A_40 = arith.addf %get3A_39, %add3A_36 : vector<4096x128xf32>
    %swap3A = arith.constant 0 : index
    %swap3A_41 = arith.constant 0 : index
    %swap3A_42 = vector.load %arg9[%swap3A, %swap3A_41] : memref<4096x128xf32, #tpu.memory_space<vmem>>, vector<4096x128xf32>
    tpu.vector_store %arg9[%swap3A, %swap3A_41], %add3A_40 {strides = array<i32>} : memref<4096x128xf32, #tpu.memory_space<vmem>>, vector<4096x128xf32>,
    %eq3A_43 = arith.constant 48 : i32
    %eq3A_44 = arith.cmpi eq, %arg0, %eq3A_43 : i32
    %convert_element_type3A_45 = arith.extui %eq3A_44 : i1 to i32
    %cond3A_46 = arith.constant 0 : i32
    %cond3A_47 = arith.cmpi ne, %convert_element_type3A_45, %cond3A_46 : i32
    scf.if %cond3A_47 {
      %get3A_48 = arith.constant 0 : index
      %get3A_49 = arith.constant 0 : index
      %get3A_50 = vector.load %arg9[%get3A_48, %get3A_49] : memref<4096x128xf32, #tpu.memory_space<vmem>>, vector<4096x128xf32>
      %reduce_sum3A = arith.constant dense<0.000000e+00> : vector<4096xf32>
      %reduce_sum3A_51 = vector.multi_reduction <add>, %get3A_50, %reduce_sum3A [1] : vector<4096x128xf32> to vector<4096xf32>
      %broadcast_in_dim3A = vector.shape_cast %reduce_sum3A_51 : vector<4096xf32> to vector<4096x1xf32>
      %log3A = math.log %broadcast_in_dim3A : vector<4096x1xf32>
      %get3A_52 = arith.constant 0 : index
      %get3A_53 = arith.constant 0 : index
      %get3A_54 = vector.load %arg8[%get3A_52, %get3A_53] : memref<4096x1xf32, #tpu.memory_space<vmem>>, vector<4096x1xf32>
      %sub3A = arith.subf %log3A, %get3A_54 : vector<4096x1xf32>
      %reduce_sum3A_55 = vector.shape_cast %sub3A : vector<4096x1xf32> to vector<1x4096x1xf32>
      %reduce_sum3A_56 = arith.constant dense<0.000000e+00> : vector<1xf32>
      %reduce_sum3A_57 = vector.multi_reduction <add>, %reduce_sum3A_55, %reduce_sum3A_56 [1, 2] : vector<1x4096x1xf32> to vector<1xf32>
      %reduce_sum3A_58 = vector.shape_cast %reduce_sum3A_57 : vector<1xf32> to vector<1x1x1xf32>
      %reduce_sum3A_59 = vector.extract %reduce_sum3A_58[0, 0, 0] : f32 from vector<1x1x1xf32>
      %div3A = arith.constant 4.096000e+03 : f32
      %div3A_60 = arith.divf %reduce_sum3A_59, %div3A : f32
      %broadcast_in_dim3A_61 = vector.broadcast %div3A_60 : f32 to vector<1x1xf32>
      %swap3A_62 = arith.constant 0 : index
      %swap3A_63 = arith.constant 0 : index
      %swap3A_64 = vector.load %arg6[%swap3A_62, %swap3A_63] : memref<1x1xf32, #tpu.memory_space<vmem>>, vector<1x1xf32>
      tpu.vector_store %arg6[%swap3A_62, %swap3A_63], %broadcast_in_dim3A_61 {strides = array<i32>} : memref<1x1xf32, #tpu.memory_space<vmem>>, vector<1x1xf32>,
    } else {
    }
    return
  }
  func.func @transform_0(%arg0: i32) -> (i32, i32) {
    %c0_i32 = arith.constant 0 : i32
    %c0_i32_0 = arith.constant 0 : i32
    %c0_i32_1 = arith.constant 0 : i32
    return %c0_i32, %c0_i32_0 : i32, i32
  }
  func.func @transform_1(%arg0: i32) -> (i32, i32) {
    %c0_i32 = arith.constant 0 : i32
    %c0_i32_0 = arith.constant 0 : i32
    %c0_i32_1 = arith.constant 0 : i32
    return %c0_i32, %c0_i32_0 : i32, i32
  }
  func.func @transform_2(%arg0: i32) -> (i32, i32) {
    %c0_i32 = arith.constant 0 : i32
    %c0_i32_0 = arith.constant 0 : i32
    %c0_i32_1 = arith.constant 0 : i32
    return %c0_i32, %c0_i32_0 : i32, i32
  }
  func.func @transform_3(%arg0: i32) -> (i32, i32) {
    %c0_i32 = arith.constant 0 : i32
    %c0_i32_0 = arith.constant 0 : i32
    %c0_i32_1 = arith.constant 0 : i32
    return %c0_i32, %c0_i32_0 : i32, i32
  }
  func.func @transform_4(%arg0: i32) -> (i32, i32) {
    %c0_i32 = arith.constant 0 : i32
    %c0_i32_0 = arith.constant 0 : i32
    return %c0_i32, %arg0 : i32, i32
  }
  func.func @transform_5(%arg0: i32) -> (i32, i32) {
    %c0_i32 = arith.constant 0 : i32
    %c0_i32_0 = arith.constant 0 : i32
    %c0_i32_1 = arith.constant 0 : i32
    return %c0_i32, %c0_i32_0 : i32, i32
  }
}

</mosaic_0001>

<sc_bundles>
// kernel: kernel.4.cloned.1.call-start
scs
__scs_entry_jumppad:
0x0: {  	(pc) =	sbr.rel $0x88, $3  }
0x1: {  	(tag) =	ssettag $0x0;
	lr =	simm.s32 $0x1  }
0x2: {  	[smem:$0x3F9C] =	sst lr;
	_ =	strace $0xD0000000  }
0x3: {  	_ = 	snop  }
0x4: {  	_ = 	snop  }
0x5: {  	_ = 	snop  }
0x6: {  	_ = 	snop  }
0x7: {  	_ = 	snop  }
__scs_overlays_trampoline_lowered:
0x8: {  	[smem:$0x3FAB] =	sst s0  }
0x9: {  	[smem:$0x3FAC] =	sst s1  }
0xa: {  	[smem:$0x3FAD] =	sst s2  }
0xb: {  	[smem:$0x3FAE] =	sst s3  }
0xc: {  	[smem:$0x3FAF] =	sst s4  }
0xd: {  	[smem:$0x3FB0] =	sst s5  }
0xe: {  	[smem:$0x3FB1] =	sst s6  }
0xf: {  	[smem:$0x3FB2] =	sst s7  }
0x10: {  	[smem:$0x3FB3] =	sst s8  }
0x11: {  	[smem:$0x3FB4] =	sst s9;
	s0 =	simm.s32 @!p0 $0x0  }
0x12: {  	s1 =	sld [smem:$0x3F9A];
	s0 =	simm.s32 @p0 $0x1  }
0x13: {  	[smem:$0x3FB5] =	sst s0;
	s0 =	simm.s32 @!p1 $0x0  }
0x14: {  	s2 =	sld [smem:$0x3F99];
	s0 =	simm.s32 @p1 $0x1  }
0x15: {  	[smem:$0x3FB6] =	sst s0;
	s0 =	simm.s32 @!p2 $0x0  }
0x16: {  	s3 =	sld [smem:$0x3FDB];
	s0 =	simm.s32 @p2 $0x1  }
0x17: {  	s4 =	simm.s32 $0x1BF5;
	[smem:$0x3FB8] =	sst s0  }
0x18: {  	s0 =	sld [smem:$0x3F9B];
	_ =	swait.ge [sflag:s4], $0x0  }
0x19: {  	s7 =	sld [smem:$0x3F9C]  }
0x1a: {  	s8 =	sadd.s32 $0xFFFFE003, lr  }
0x1b: {  	s9 =	sadd.s32 $0xFFFFFEF7, lr;
	s5 =	simm.s32 $0xFFFFFFFF;
	p2 =	slt.u32 s8, $0xFFFFF086  }
0x1c: {  	p1 =	slt.u32 s9, $0xF7A;
	s5 =	simm.s32 @!p2 $0x0  }
0x1d: {  	s5 =	simm.s32 @p1 $0x1;
	p0 =	seq.s32 s7, s2  }
0x1e: {  	s7 =	smul.u32 @!p0 $0xF7A, s2;
	p2 =	seq.s32 @!p0 s5, $0x0  }
0x1f: {  	s9 =	smul.u32 $0xF7A, s1;
	s8 =	simm.s32 @!p0 $0x1BF5;
	p2 =	por !p2, p0  }
0x20: {  	[sflag:s8] =	ssyncset.s32 @!p0 $0xFFFFF086;
	s6 =	sadd.s32 @!p0 s3, s7;
	s7 =	simm.s32 @!p0 $0x108  }
0x21: {  	s3 =	sadd.s32 s3, s9;
	s6 =	sadd.s32 @!p0 $0x88, s6;
	s7 =	simm.s32 @p2 $0x1082  }
0x22: {  	[simem:s7], [sflag:s8] =	dma.local @!p0 [hbm:s6], $0xF7A  }
0x23: {  	s9 =	sor.u32 $0xD0000000, s2;
	s6 =	simm.s32 $0x108;
	_ =	swait.ge @!p0 [sflag:s8], $0x0  }
0x24: {  	s3 =	sadd.s32 $0x88, s3;
	s6 =	simm.s32 @!p1 $0x1082;
	[sflag:s4] =	ssyncset.s32 $0xFFFFF086  }
0x25: {  	[simem:s6], [sflag:s4] =	dma.local [hbm:s3], $0xF7A  }
0x26: {  	[smem:$0x3F9C] =	sst s1;
	(tag) =	ssettag s2;
	_ =	strace s9  }
0x27: {  	s1 =	sld [smem:$0x3FAC]  }
0x28: {  	s2 =	sld [smem:$0x3FAD]  }
0x29: {  	s4 =	sld [smem:$0x3FAF]  }
0x2a: {  	p0 =	seq.s32 s5, $0x0;
	s5 =	sld [smem:$0x3FB0]  }
0x2b: {  	s6 =	sld [smem:$0x3FB1]  }
0x2c: {  	s7 =	sld [smem:$0x3FB2]  }
0x2d: {  	s3 =	simm.s32 $0x108;
	s8 =	sld [smem:$0x3FB3]  }
0x2e: {  	s3 =	simm.s32 @!p0 $0x1082;
	s9 =	sld [smem:$0x3FB4]  }
0x2f: {  	lr =	sadd.s32 s0, s3;
	s0 =	sld [smem:$0x3FAB]  }
0x30: {  	s3 =	sld [smem:$0x3FAE]  }
0x31: {  	[smem:$0x3FB7] =	sst s10  }
0x32: {  	s10 =	sld [smem:$0x3FB5];
	_ =	sdelay $0x3  }
0x33: {  	p0 =	seq.s32 s10, $0x1;
	s10 =	sld [smem:$0x3FB7];
	_ =	sdelay $0x3  }
0x34: {  	[smem:$0x3FB7] =	sst s10  }
0x35: {  	s10 =	sld [smem:$0x3FB6];
	_ =	sdelay $0x3  }
0x36: {  	p1 =	seq.s32 s10, $0x1;
	s10 =	sld [smem:$0x3FB7];
	_ =	sdelay $0x3  }
0x37: {  	[smem:$0x3FB7] =	sst s10  }
0x38: {  	s10 =	sld [smem:$0x3FB8]  }
0x39: {  	_ = 	snop;
	(pc) =	sbr.ind lr, $3  }
0x3a: {  	_ = 	snop  }
0x3b: {  	_ = 	snop  }
0x3c: {  	p2 =	seq.s32 s10, $0x1;
	s10 =	sld [smem:$0x3FB7]  }
0x3d: {  	_ =	shalt  }
0x3e: {  	_ =	shalt  }
0x3f: {  	_ =	shalt  }
0x40: {  	_ =	shalt  }
0x41: {  	_ =	shalt  }
0x42: {  	_ =	shalt  }
0x43: {  	_ =	shalt  }
0x44: {  	_ =	shalt  }
0x45: {  	_ =	shalt  }
0x46: {  	_ =	shalt  }
0x47: {  	_ =	shalt  }
0x48: {  	_ =	shalt  }
0x49: {  	_ =	shalt  }
0x4a: {  	_ =	shalt  }
0x4b: {  	_ =	shalt  }
0x4c: {  	_ =	shalt  }
0x4d: {  	_ =	shalt  }
0x4e: {  	_ =	shalt  }
0x4f: {  	_ =	shalt  }
0x50: {  	_ =	shalt  }
0x51: {  	_ =	shalt  }
0x52: {  	_ =	shalt  }
0x53: {  	_ =	shalt  }
0x54: {  	_ =	shalt  }
0x55: {  	_ =	shalt  }
0x56: {  	_ =	shalt  }
0x57: {  	_ =	shalt  }
0x58: {  	_ =	shalt  }
0x59: {  	_ =	shalt  }
0x5a: {  	_ =	shalt  }
0x5b: {  	_ =	shalt  }
0x5c: {  	_ =	shalt  }
0x5d: {  	_ =	shalt  }
0x5e: {  	_ =	shalt  }
0x5f: {  	_ =	shalt  }
0x60: {  	_ =	shalt  }
0x61: {  	_ =	shalt  }
0x62: {  	_ =	shalt  }
0x63: {  	_ =	shalt  }
0x64: {  	_ =	shalt  }
0x65: {  	_ =	shalt  }
0x66: {  	_ =	shalt  }
0x67: {  	_ =	shalt  }
0x68: {  	_ =	shalt  }
0x69: {  	_ =	shalt  }
0x6a: {  	_ =	shalt  }
0x6b: {  	_ =	shalt  }
0x6c: {  	_ =	shalt  }
0x6d: {  	_ =	shalt  }
0x6e: {  	_ =	shalt  }
0x6f: {  	_ =	shalt  }
0x70: {  	_ =	shalt  }
0x71: {  	_ =	shalt  }
0x72: {  	_ =	shalt  }
0x73: {  	_ =	shalt  }
0x74: {  	_ =	shalt  }
0x75: {  	_ =	shalt  }
0x76: {  	_ =	shalt  }
0x77: {  	_ =	shalt  }
0x78: {  	_ =	shalt  }
0x79: {  	_ =	shalt  }
0x7a: {  	_ =	shalt  }
0x7b: {  	_ =	shalt  }
0x7c: {  	_ =	shalt  }
0x7d: {  	_ =	shalt  }
0x7e: {  	_ =	shalt  }
0x7f: {  	_ =	shalt  }
0x80: {  	_ =	shalt  }
0x81: {  	_ =	shalt  }
0x82: {  	_ =	shalt  }
0x83: {  	_ =	shalt  }
0x84: {  	_ =	shalt  }
0x85: {  	_ =	shalt  }
0x86: {  	_ =	shalt  }
0x87: {  	_ =	shalt  }
.Lfunc_end0:
.L_simem_size_0:
called_computation_lowered:
.L_overlay_start_0:
0x88: {  	s2 =	sld [smem:$0x3FD9]  }
0x89: {  	s3 =	sld [smem:$0x3FFE];
	_ =	sdelay $0x1  }
0x8a: {  	s1 =	srdreg.scid  }
0x8b: {  	s0 =	sand.u32 $0x1, s1  }
0x8c: {  	s17 =	sshll.u32 s0, $0xA;
	s2 =	sadd.s32 s3, s2  }
0x8d: {  	s2 =	sadd.s32 s2, s17  }
0x8e: {  	[smem:$0x3FC3] =	sst s2  }
0x8f: {  	_ = 	snop  }
0x90: {  	s2 =	sld [smem:$0x3FC8];
	(tm) =	ssettm $0x1  }
0x91: {  	s18 =	sld [smem:$0x3FFB];
	_ =	sdelay $0x3  }
0x92: {  	_ =	strace s18  }
0x93: {  	s3 =	sld [smem:$0x3FFC];
	_ =	sdelay $0x3  }
0x94: {  	_ =	strace s3  }
0x95: {  	s3 =	sld [smem:$0x3FFD];
	_ =	sdelay $0x3  }
0x96: {  	_ =	strace s3  }
0x97: {  	_ =	strace $0x8FFFFFFF  }
0x98: {  	s19 =	sld [smem:$0x3FDB];
	_ =	sdelay $0x1  }
0x99: {  	s4 =	simm.s32 $_scs_section_size  }
0x9a: {  	s5 =	simm.s32 $_size__tile_overlayer_lowered;
	s6 =	simm.s32 $_tile_overlayer_lowered  }
0x9b: {  	s22 =	simm.s32 $0x1BFF;
	s21 =	sshll.u32 s6, $0x1;
	s3 =	sadd.s32 s4, s19  }
0x9c: {  	s7 =	simm.s32 $0x0;
	s20 =	sshll.u32 s5, $0x1;
	s5 =	sadd.s32 s21, s3  }
0x9d: {  	[timem:s7], [sflag:s22] =	dma.local [hbm:s5], s20  }
0x9e: {  	_ =	swait.ge [sflag:s22], s20  }
0x9f: {  	s4 =	ssub.s32 $0x0, s20;
	[sflag:s22] =	ssyncset.done $0x0  }
0xa0: {  	[sflag:s22] =	ssyncadd.s32 s4;
	_ =	sdelay $0x1  }
0xa1: {  	s23 =	simm.s32 $0x1B8B  }
0xa2: {  	_ =	swait.ge [sflag:s23], $0x1  }
0xa3: {  	[sflag:s23] =	ssyncset.done $0x0  }
0xa4: {  	s25 =	simm.s32 $0x1B8E;
	s24 =	sld [smem:$0x3FFE];
	[sflag:s23] =	ssyncadd.s32 $0xFFFFFFFF  }
0xa5: {  	s26 =	simm.s32 $execute0_lowered;
	[smem:$0x3FD2] =	sst s25  }
0xa6: {  	s5 =	sshll.u32 s26, $0x1;
	_ =	strace $0x80000046;
	[dreg:$0x1] =	wrdreg $0xFFFFFFFF  }
0xa7: {  	s28 =	simm.s32 $_size_execute0_lowered;
	s3 =	sadd.s32 s3, s5;
	[dreg:$0x0] =	wrdreg $0x0  }
0xa8: {  	s5 =	sshll.u32 s28, $0x1;
	[dreg:$0x2] =	wrdreg s3  }
0xa9: {  	[dreg:$0x3] =	wrdreg s5  }
0xaa: {  	[dreg:$0x4] =	wrdreg $0xC0  }
0xab: {  	_ =	task [dreg:s7], $0x5FFFF  }
0xac: {  	[dreg:$0x1] =	wrdreg $0xFFFFFFFF  }
0xad: {  	[dreg:$0x0] =	wrdreg $0x60  }
0xae: {  	[dreg:$0x2] =	wrdreg s24  }
0xaf: {  	[dreg:$0x3] =	wrdreg s2  }
0xb0: {  	[dreg:$0x4] =	wrdreg $0x9  }
0xb1: {  	_ =	task.clear_ibuf [dreg:s7], $0x5FFFF;
	_ =	strace $0x90000046  }
0xb2: {  	s29 =	simm.s32 $0x9;
	_ =	strace $0x80000048  }
0xb3: {  	_ =	swait.ge [sflag:s29], $0x1  }
0xb4: {  	[sflag:s29] =	ssyncadd.s32 $0xFFFFFFFF  }
0xb5: {  	_ =	strace $0x90000048  }
0xb6: {  	_ =	sfence  }
0xb7: {  	s30 =	sld [smem:$0x0];
	_ =	sdelay $0x2  }
0xb8: {  	s31 =	sshll.u32 s1, $0xD;
	s1 =	sshrl.u32 s1, $0x2  }
0xb9: {  	s3 =	sand.u32 $0x4000, s31;
	s1 =	sadd.s32 s1, s30  }
0xba: {  	s0 =	sor.u32 s3, s0;
	s1 =	sshll.u32 s1, $0x11  }
0xbb: {  	s0 =	sor.u32 s1, s0  }
0xbc: {  	s0 =	sadd.s32 $0x8F2B, s0  }
0xbd: {  	[sflag:s0] =	ssyncadd.remote.s32 $0x1  }
0xbe: {  	_ =	sfence.sel $0xFFFF  }
0xbf: {  	[dreg:$0x0] =	wrdreg $0xFFFFFFFF;
	(pc) =	sbr.abs _section_cstart, $3  }
0xc0: {  	[dreg:$0x1] =	wrdreg $0xFFFFFFFF  }
0xc1: {  	_ =	task.clear_ibuf [dreg:s7], $0x2FFFF;
	_ =	strace $0x9FFFFFFF  }
0xc2: {  	(tm) =	ssettm $0x7FFFFFFF  }
0xc3: {  	_ =	shalt  }
tec
execute0_lowered:
.L_overlay_start_1:
0x0: {  	(tag) =	ssettag $0x1  }
0x1: {  	s0 =	srdreg.scid;
	s1 =	rddreg [dreg:$0x0]  }
0x2: {  	s2 =	stileid.u32;
	s3 =	rddreg [dreg:$0x1]  }
0x3: {  	s11 =	simm.s32 $0x4;
	s28 =	simm.s32 $0x4A00;
	s26 =	simm.s32 $0x4A80  }
0x4: {  	s10 =	simm.s32 $0x80;
	s25 =	simm.s32 $0x100;
	s14 =	simm.s32 $0x200  }
0x5: {  	s15 =	simm.s32 $0x280;
	s16 =	simm.s32 $0x300;
	s17 =	simm.s32 $0x380  }
0x6: {  	s18 =	simm.s32 $0x400;
	s29 =	simm.s32 $0x800;
	p0 =	por $0x0, $0x0  }
0x7: {  	s30 =	simm.s32 $0x880;
	s31 =	simm.s32 $0x900;
	s13 =	simm.s32 $0x980  }
0x8: {  	s0 =	sand.u32 $0x1, s0;
	s2 =	sshll.u32 s2, $0x1;
	s6 =	sadd.s32 $0x5E00, s1  }
0x9: {  	s19 =	sadd.s32 $0x9000, s1;
	s9 =	sadd.s32 $0x18A400, s1;
	s4 =	sor.u32 s0, s2  }
0xa: {  	s2 =	simm.s32 $0x0;
	s0 =	ssub.s32 $0x2, s0;
	s5 =	smul.u32 $0x140, s4  }
0xb: {  	[smem:$0x7FF] =	sst s2;
	s7 =	sshll.u32 s4, $0x4;
	s4 =	sshll.u32 s4, $0xB  }
0xc: {  	s22 =	sshrl.u32 s0, $0x1;
	_ =	strace $0x80000047;
	[dreg:$0x3] =	wrdreg s6  }
0xd: {  	s8 =	sadd.s32 s7, s1;
	[dreg:$0x4] =	wrdreg s19;
	s3 =	sadd.s32 s3, s7  }
0xe: {  	s4 =	sadd.s32 s4, s1;
	s0 =	ssub.s32 s0, s22;
	[dreg:$0xb] =	wrdreg s25  }
0xf: {  	s19 =	simm.s32 $0x480;
	s22 =	simm.s32 $0x600;
	s25 =	simm.s32 $0x780  }
0x10: {  	s7 =	simm.s32 $0x2;
	s6 =	simm.s32 $0x3;
	s5 =	sadd.s32 s5, s1  }
0x11: {  	[dreg:$0x6] =	wrdreg s3;
	s20 =	sadd.s32 $0x5C00, s8;
	s21 =	sadd.s32 $0x9800, s4  }
0x12: {  	s23 =	sadd.s32 $0x19800, s4;
	s24 =	sadd.s32 $0x29800, s4;
	s0 =	smax.u32 s0, $0x1  }
0x13: {  	s4 =	simm.s32 $0x4B00;
	[dreg:$0x7] =	wrdreg s20;
	p1 =	sne.s32 s0, $0x1  }
.Ltmp0:
0x14: {  	s3 =	simm.s32 $0x8B00;
	[dreg:$0x8] =	wrdreg s21;
	(pc) =	sbr.rel @!p1 .LBB2_1-.Ltmp0, $4  }
0x15: {  	s8 =	simm.s32 $0x1;
	s5 =	sadd.s32 $0x3400, s5;
	[dreg:$0x9] =	wrdreg s23  }
0x16: {  	[dreg:$0xa] =	wrdreg s24;
	s20 =	simm.s32 $0x500;
	s21 =	simm.s32 $0x580  }
0x17: {  	s23 =	simm.s32 $0x680;
	s24 =	simm.s32 $0x700;
	[dreg:$0x5] =	wrdreg s5  }
0x18: {  	s12 =	sadd.s32 $0xFFFFFFFF, s0;
	s5 =	simm.s32 $0xA00;
	s0 =	rddreg [dreg:$0x5]  }
0x19: {  	[tilespmem:s2], [sflag:$0x4] =	stream.linear.gather [hbm4b:s0+s2], $0xA00, $0x38;
	[tilespmem:$0xCB00] =	vst v63  }
0x1a: {  	_ =	swait.ge [sflag:s11], $0xA00  }
0x1b: {  	[sflag:s11] =	ssyncset.done $0x0  }
0x1c: {  	s1 =	rddreg [dreg:$0x6];
	[sflag:s11] =	ssyncadd.s32 $0xFFFFF600  }
0x1d: {  	[tilespmem:s28], [sflag:$0x4] =	stream.linear.gather [hbm4b:s1+s2], $0x80, $0x38;
	[tilespmem:$0xCB00] =	vst v63  }
0x1e: {  	_ =	swait.ge [sflag:s11], $0x80  }
0x1f: {  	[sflag:s11] =	ssyncset.done $0x0  }
0x20: {  	s1 =	rddreg [dreg:$0x7];
	[sflag:s11] =	ssyncadd.s32 $0xFFFFFF80  }
0x21: {  	[tilespmem:s26], [sflag:$0x4] =	stream.linear.gather [hbm4b:s1+s2], $0x80, $0x38;
	[tilespmem:$0xCB00] =	vst v63  }
0x22: {  	_ =	swait.ge [sflag:s11], $0x80  }
0x23: {  	[sflag:s11] =	ssyncset.done $0x0  }
0x24: {  	[sflag:s11] =	ssyncadd.s32 $0xFFFFFF80  }
0x25: {  	[tilespmem:s4], [sflag:$0x2] =	stream.indirect.gather [hbm4b:s9+s10], $0x80, s28, s10, $0xb8;
	[tilespmem:$0xCB00] =	vst v63  }
0x26: {  	s0 =	rddreg [dreg:$0x3]  }
0x27: {  	[tilespmem:s3], [sflag:$0x2] =	stream.indirect.gather [hbm4b:s0+s10], $0x80, s26, s10, $0xb8;
	[tilespmem:$0xCB00] =	vst v63  }
0x28: {  	s1 =	rddreg [dreg:$0x4]  }
0x29: {  	[tilespmem:s5], [sflag:$0x4] =	stream.linear.gather [hbm4b:s1+s2], $0x4000, $0x38;
	[tilespmem:$0xCB00] =	vst v63  }
0x2a: {  	_ =	swait.ge [sflag:s11], $0x4000  }
0x2b: {  	[sflag:s11] =	ssyncset.done $0x0  }
0x2c: {  	[sflag:s11] =	ssyncadd.s32 $0xFFFFC000  }
0x2d: {  	[tilespmem:s5], [sflag:$0x1] =	stream.indirect.gather.add.f32 [hbm:s9], $0x80, s2, s10, $0xb8;
	[tilespmem:$0xCB00] =	vst v63  }
0x2e: {  	_ = 	snop  }
0x2f: {  	[tilespmem:s5], [sflag:$0x1] =	stream.indirect.gather.add.f32 [hbm:s9], $0x80, s10, s10, $0xb8;
	[tilespmem:$0xCB00] =	vst v63  }
0x30: {  	s1 =	rddreg [dreg:$0xb]  }
0x31: {  	[tilespmem:s5], [sflag:$0x1] =	stream.indirect.gather.add.f32 [hbm:s9], $0x80, s1, s10, $0xb8;
	[tilespmem:$0xCB00] =	vst v63  }
0x32: {  	s1 =	simm.s32 $0x180  }
0x33: {  	[tilespmem:s5], [sflag:$0x1] =	stream.indirect.gather.add.f32 [hbm:s9], $0x80, s1, s10, $0xb8;
	[tilespmem:$0xCB00] =	vst v63  }
0x34: {  	_ = 	snop  }
0x35: {  	[tilespmem:s5], [sflag:$0x1] =	stream.indirect.gather.add.f32 [hbm:s9], $0x80, s14, s10, $0xb8;
	[tilespmem:$0xCB00] =	vst v63  }
0x36: {  	_ = 	snop  }
0x37: {  	[tilespmem:s5], [sflag:$0x1] =	stream.indirect.gather.add.f32 [hbm:s9], $0x80, s15, s10, $0xb8;
	[tilespmem:$0xCB00] =	vst v63  }
0x38: {  	_ = 	snop  }
0x39: {  	[tilespmem:s5], [sflag:$0x1] =	stream.indirect.gather.add.f32 [hbm:s9], $0x80, s16, s10, $0xb8;
	[tilespmem:$0xCB00] =	vst v63  }
0x3a: {  	_ = 	snop  }
0x3b: {  	[tilespmem:s5], [sflag:$0x1] =	stream.indirect.gather.add.f32 [hbm:s9], $0x80, s17, s10, $0xb8;
	[tilespmem:$0xCB00] =	vst v63  }
0x3c: {  	_ = 	snop  }
0x3d: {  	[tilespmem:s5], [sflag:$0x1] =	stream.indirect.gather.add.f32 [hbm:s9], $0x80, s18, s10, $0xb8;
	[tilespmem:$0xCB00] =	vst v63  }
0x3e: {  	_ = 	snop  }
0x3f: {  	[tilespmem:s5], [sflag:$0x1] =	stream.indirect.gather.add.f32 [hbm:s9], $0x80, s19, s10, $0xb8;
	[tilespmem:$0xCB00] =	vst v63  }
0x40: {  	_ = 	snop  }
0x41: {  	[tilespmem:s5], [sflag:$0x1] =	stream.indirect.gather.add.f32 [hbm:s9], $0x80, s20, s10, $0xb8;
	[tilespmem:$0xCB00] =	vst v63  }
0x42: {  	_ = 	snop  }
0x43: {  	[tilespmem:s5], [sflag:$0x1] =	stream.indirect.gather.add.f32 [hbm:s9], $0x80, s21, s10, $0xb8;
	[tilespmem:$0xCB00] =	vst v63  }
0x44: {  	_ = 	snop  }
0x45: {  	[tilespmem:s5], [sflag:$0x1] =	stream.indirect.gather.add.f32 [hbm:s9], $0x80, s22, s10, $0xb8;
	[tilespmem:$0xCB00] =	vst v63  }
0x46: {  	_ = 	snop  }
0x47: {  	[tilespmem:s5], [sflag:$0x1] =	stream.indirect.gather.add.f32 [hbm:s9], $0x80, s23, s10, $0xb8;
	[tilespmem:$0xCB00] =	vst v63  }
0x48: {  	_ = 	snop  }
0x49: {  	[tilespmem:s5], [sflag:$0x1] =	stream.indirect.gather.add.f32 [hbm:s9], $0x80, s24, s10, $0xb8;
	[tilespmem:$0xCB00] =	vst v63  }
0x4a: {  	_ = 	snop  }
0x4b: {  	[tilespmem:s5], [sflag:$0x1] =	stream.indirect.gather.add.f32 [hbm:s9], $0x80, s25, s10, $0xb8;
	[tilespmem:$0xCB00] =	vst v63  }
0x4c: {  	_ = 	snop  }
0x4d: {  	[tilespmem:s5], [sflag:$0x1] =	stream.indirect.gather.add.f32 [hbm:s9], $0x80, s29, s10, $0xb8;
	[tilespmem:$0xCB00] =	vst v63  }
0x4e: {  	_ = 	snop  }
0x4f: {  	[tilespmem:s5], [sflag:$0x1] =	stream.indirect.gather.add.f32 [hbm:s9], $0x80, s30, s10, $0xb8;
	[tilespmem:$0xCB00] =	vst v63  }
0x50: {  	_ = 	snop  }
0x51: {  	[tilespmem:s5], [sflag:$0x1] =	stream.indirect.gather.add.f32 [hbm:s9], $0x80, s31, s10, $0xb8;
	[tilespmem:$0xCB00] =	vst v63  }
0x52: {  	_ = 	snop  }
0x53: {  	[tilespmem:s5], [sflag:$0x1] =	stream.indirect.gather.add.f32 [hbm:s9], $0x80, s13, s10, $0xb8;
	[tilespmem:$0xCB00] =	vst v63  }
0x54: {  	_ =	swait.ge [sflag:s8], $0x4000  }
0x55: {  	[sflag:s8] =	ssyncset.done $0x0  }
0x56: {  	[sflag:s8] =	ssyncadd.s32 $0xFFFFC000  }
0x57: {  	_ =	swait.ge [sflag:s8], $0x4000  }
0x58: {  	[sflag:s8] =	ssyncset.done $0x0  }
0x59: {  	[sflag:s8] =	ssyncadd.s32 $0xFFFFC000  }
0x5a: {  	_ =	swait.ge [sflag:s8], $0x4000  }
0x5b: {  	[sflag:s8] =	ssyncset.done $0x0  }
0x5c: {  	[sflag:s8] =	ssyncadd.s32 $0xFFFFC000  }
0x5d: {  	_ =	swait.ge [sflag:s8], $0x4000  }
0x5e: {  	[sflag:s8] =	ssyncset.done $0x0  }
0x5f: {  	[sflag:s8] =	ssyncadd.s32 $0xFFFFC000  }
0x60: {  	_ =	swait.ge [sflag:s8], $0x4000  }
0x61: {  	[sflag:s8] =	ssyncset.done $0x0  }
0x62: {  	[sflag:s8] =	ssyncadd.s32 $0xFFFFC000  }
0x63: {  	_ =	swait.ge [sflag:s8], $0x4000  }
0x64: {  	[sflag:s8] =	ssyncset.done $0x0  }
0x65: {  	[sflag:s8] =	ssyncadd.s32 $0xFFFFC000  }
0x66: {  	_ =	swait.ge [sflag:s8], $0x4000  }
0x67: {  	[sflag:s8] =	ssyncset.done $0x0  }
0x68: {  	[sflag:s8] =	ssyncadd.s32 $0xFFFFC000  }
0x69: {  	_ =	swait.ge [sflag:s8], $0x4000  }
0x6a: {  	[sflag:s8] =	ssyncset.done $0x0  }
0x6b: {  	[sflag:s8] =	ssyncadd.s32 $0xFFFFC000  }
0x6c: {  	_ =	swait.ge [sflag:s8], $0x4000  }
0x6d: {  	[sflag:s8] =	ssyncset.done $0x0  }
0x6e: {  	[sflag:s8] =	ssyncadd.s32 $0xFFFFC000  }
0x6f: {  	_ =	swait.ge [sflag:s8], $0x4000  }
0x70: {  	[sflag:s8] =	ssyncset.done $0x0  }
0x71: {  	[sflag:s8] =	ssyncadd.s32 $0xFFFFC000  }
0x72: {  	_ =	swait.ge [sflag:s8], $0x4000  }
0x73: {  	[sflag:s8] =	ssyncset.done $0x0  }
0x74: {  	[sflag:s8] =	ssyncadd.s32 $0xFFFFC000  }
0x75: {  	_ =	swait.ge [sflag:s8], $0x4000  }
0x76: {  	[sflag:s8] =	ssyncset.done $0x0  }
0x77: {  	[sflag:s8] =	ssyncadd.s32 $0xFFFFC000  }
0x78: {  	_ =	swait.ge [sflag:s8], $0x4000  }
0x79: {  	[sflag:s8] =	ssyncset.done $0x0  }
0x7a: {  	[sflag:s8] =	ssyncadd.s32 $0xFFFFC000  }
0x7b: {  	_ =	swait.ge [sflag:s8], $0x4000  }
0x7c: {  	[sflag:s8] =	ssyncset.done $0x0  }
0x7d: {  	[sflag:s8] =	ssyncadd.s32 $0xFFFFC000  }
0x7e: {  	_ =	swait.ge [sflag:s8], $0x4000  }
0x7f: {  	[sflag:s8] =	ssyncset.done $0x0  }
0x80: {  	[sflag:s8] =	ssyncadd.s32 $0xFFFFC000  }
0x81: {  	_ =	swait.ge [sflag:s8], $0x4000  }
0x82: {  	[sflag:s8] =	ssyncset.done $0x0  }
0x83: {  	[sflag:s8] =	ssyncadd.s32 $0xFFFFC000  }
0x84: {  	_ =	swait.ge [sflag:s8], $0x4000  }
0x85: {  	[sflag:s8] =	ssyncset.done $0x0  }
0x86: {  	[sflag:s8] =	ssyncadd.s32 $0xFFFFC000  }
0x87: {  	_ =	swait.ge [sflag:s8], $0x4000  }
0x88: {  	[sflag:s8] =	ssyncset.done $0x0  }
0x89: {  	[sflag:s8] =	ssyncadd.s32 $0xFFFFC000  }
0x8a: {  	_ =	swait.ge [sflag:s8], $0x4000  }
0x8b: {  	[sflag:s8] =	ssyncset.done $0x0  }
0x8c: {  	[sflag:s8] =	ssyncadd.s32 $0xFFFFC000  }
0x8d: {  	_ =	swait.ge [sflag:s8], $0x4000  }
0x8e: {  	[sflag:s8] =	ssyncset.done $0x0  }
0x8f: {  	s1 =	rddreg [dreg:$0x8];
	[sflag:s8] =	ssyncadd.s32 $0xFFFFC000  }
0x90: {  	[hbm4b:s1+s2] =	stream.linear.scatter [tilespmem:s5], [sflag:$0x3], $0x4000, $0x38;
	[tilespmem:$0xCB00] =	vst v63  }
0x91: {  	_ =	swait.ge [sflag:s7], $0x4000  }
0x92: {  	[sflag:s7] =	ssyncset.done $0x0  }
0x93: {  	s1 =	rddreg [dreg:$0x9];
	[sflag:s7] =	ssyncadd.s32 $0xFFFFC000  }
0x94: {  	[hbm4b:s1+s2] =	stream.linear.scatter [tilespmem:s4], [sflag:$0x3], $0x4000, $0x38;
	[tilespmem:$0xCB00] =	vst v63  }
0x95: {  	_ =	swait.ge [sflag:s7], $0x4000  }
0x96: {  	[sflag:s7] =	ssyncset.done $0x0  }
0x97: {  	s1 =	rddreg [dreg:$0xa];
	[sflag:s7] =	ssyncadd.s32 $0xFFFFC000  }
0x98: {  	[hbm4b:s1+s2] =	stream.linear.scatter [tilespmem:s3], [sflag:$0x3], $0x4000, $0x38;
	[tilespmem:$0xCB00] =	vst v63  }
0x99: {  	_ =	swait.ge [sflag:s6], $0x4000  }
0x9a: {  	[sflag:s6] =	ssyncset.done $0x0  }
0x9b: {  	p1 =	sne.s32 s12, $0x1;
	[sflag:s6] =	ssyncadd.s32 $0xFFFFC000  }
.Ltmp1:
0x9c: {  	_ =	swait.ge [sflag:s6], $0x4000;
	(pc) =	sbr.rel @!p1 .LBB2_3-.Ltmp1, $4  }
0x9d: {  	[sflag:s6] =	ssyncset.done $0x0  }
0x9e: {  	[sflag:s6] =	ssyncadd.s32 $0xFFFFC000  }
0x9f: {  	p0 =	por $0x1, $0x1;
	_ =	swait.ge [sflag:s6], $0x4000  }
0xa0: {  	s1 =	sadd.s32 $0xFFFFFFFF, s12;
	s0 =	rddreg [dreg:$0x5];
	[sflag:s6] =	ssyncset.done $0x0  }
.LBB2_4:
0xa1: {  	[sflag:s6] =	ssyncadd.s32 $0xFFFFC000  }
0xa2: {  	[tilespmem:s2], [sflag:$0x4] =	stream.linear.gather [hbm4b:s0+s2], $0xA00, $0x38;
	[tilespmem:$0xCB00] =	vst v63  }
0xa3: {  	_ =	swait.ge [sflag:s11], $0xA00  }
0xa4: {  	[sflag:s11] =	ssyncset.done $0x0  }
0xa5: {  	s12 =	rddreg [dreg:$0x6];
	[sflag:s11] =	ssyncadd.s32 $0xFFFFF600  }
0xa6: {  	[tilespmem:s28], [sflag:$0x4] =	stream.linear.gather [hbm4b:s12+s2], $0x80, $0x38;
	[tilespmem:$0xCB00] =	vst v63  }
0xa7: {  	_ =	swait.ge [sflag:s11], $0x80  }
0xa8: {  	[sflag:s11] =	ssyncset.done $0x0  }
0xa9: {  	s12 =	rddreg [dreg:$0x7];
	[sflag:s11] =	ssyncadd.s32 $0xFFFFFF80  }
0xaa: {  	[tilespmem:s26], [sflag:$0x4] =	stream.linear.gather [hbm4b:s12+s2], $0x80, $0x38;
	[tilespmem:$0xCB00] =	vst v63  }
0xab: {  	_ =	swait.ge [sflag:s11], $0x80  }
0xac: {  	[sflag:s11] =	ssyncset.done $0x0  }
0xad: {  	[sflag:s11] =	ssyncadd.s32 $0xFFFFFF80  }
0xae: {  	[tilespmem:s4], [sflag:$0x2] =	stream.indirect.gather [hbm4b:s9+s10], $0x80, s28, s10, $0xb8;
	[tilespmem:$0xCB00] =	vst v63  }
0xaf: {  	s0 =	rddreg [dreg:$0x3]  }
0xb0: {  	[tilespmem:s3], [sflag:$0x2] =	stream.indirect.gather [hbm4b:s0+s10], $0x80, s26, s10, $0xb8;
	[tilespmem:$0xCB00] =	vst v63  }
0xb1: {  	s12 =	rddreg [dreg:$0x4]  }
0xb2: {  	[tilespmem:s5], [sflag:$0x4] =	stream.linear.gather [hbm4b:s12+s2], $0x4000, $0x38;
	[tilespmem:$0xCB00] =	vst v63  }
0xb3: {  	_ =	swait.ge [sflag:s11], $0x4000  }
0xb4: {  	[sflag:s11] =	ssyncset.done $0x0  }
0xb5: {  	[sflag:s11] =	ssyncadd.s32 $0xFFFFC000  }
0xb6: {  	[tilespmem:s5], [sflag:$0x1] =	stream.indirect.gather.add.f32 [hbm:s9], $0x80, s2, s10, $0xb8;
	[tilespmem:$0xCB00] =	vst v63  }
0xb7: {  	_ = 	snop  }
0xb8: {  	[tilespmem:s5], [sflag:$0x1] =	stream.indirect.gather.add.f32 [hbm:s9], $0x80, s10, s10, $0xb8;
	[tilespmem:$0xCB00] =	vst v63  }
0xb9: {  	s12 =	rddreg [dreg:$0xb]  }
0xba: {  	[tilespmem:s5], [sflag:$0x1] =	stream.indirect.gather.add.f32 [hbm:s9], $0x80, s12, s10, $0xb8;
	[tilespmem:$0xCB00] =	vst v63  }
0xbb: {  	s12 =	simm.s32 $0x180  }
0xbc: {  	[tilespmem:s5], [sflag:$0x1] =	stream.indirect.gather.add.f32 [hbm:s9], $0x80, s12, s10, $0xb8;
	[tilespmem:$0xCB00] =	vst v63  }
0xbd: {  	_ = 	snop  }
0xbe: {  	[tilespmem:s5], [sflag:$0x1] =	stream.indirect.gather.add.f32 [hbm:s9], $0x80, s14, s10, $0xb8;
	[tilespmem:$0xCB00] =	vst v63  }
0xbf: {  	_ = 	snop  }
0xc0: {  	[tilespmem:s5], [sflag:$0x1] =	stream.indirect.gather.add.f32 [hbm:s9], $0x80, s15, s10, $0xb8;
	[tilespmem:$0xCB00] =	vst v63  }
0xc1: {  	_ = 	snop  }
0xc2: {  	[tilespmem:s5], [sflag:$0x1] =	stream.indirect.gather.add.f32 [hbm:s9], $0x80, s16, s10, $0xb8;
	[tilespmem:$0xCB00] =	vst v63  }
0xc3: {  	_ = 	snop  }
0xc4: {  	[tilespmem:s5], [sflag:$0x1] =	stream.indirect.gather.add.f32 [hbm:s9], $0x80, s17, s10, $0xb8;
	[tilespmem:$0xCB00] =	vst v63  }
0xc5: {  	_ = 	snop  }
0xc6: {  	[tilespmem:s5], [sflag:$0x1] =	stream.indirect.gather.add.f32 [hbm:s9], $0x80, s18, s10, $0xb8;
	[tilespmem:$0xCB00] =	vst v63  }
0xc7: {  	_ = 	snop  }
0xc8: {  	[tilespmem:s5], [sflag:$0x1] =	stream.indirect.gather.add.f32 [hbm:s9], $0x80, s19, s10, $0xb8;
	[tilespmem:$0xCB00] =	vst v63  }
0xc9: {  	_ = 	snop  }
0xca: {  	[tilespmem:s5], [sflag:$0x1] =	stream.indirect.gather.add.f32 [hbm:s9], $0x80, s20, s10, $0xb8;
	[tilespmem:$0xCB00] =	vst v63  }
0xcb: {  	_ = 	snop  }
0xcc: {  	[tilespmem:s5], [sflag:$0x1] =	stream.indirect.gather.add.f32 [hbm:s9], $0x80, s21, s10, $0xb8;
	[tilespmem:$0xCB00] =	vst v63  }
0xcd: {  	_ = 	snop  }
0xce: {  	[tilespmem:s5], [sflag:$0x1] =	stream.indirect.gather.add.f32 [hbm:s9], $0x80, s22, s10, $0xb8;
	[tilespmem:$0xCB00] =	vst v63  }
0xcf: {  	_ = 	snop  }
0xd0: {  	[tilespmem:s5], [sflag:$0x1] =	stream.indirect.gather.add.f32 [hbm:s9], $0x80, s23, s10, $0xb8;
	[tilespmem:$0xCB00] =	vst v63  }
0xd1: {  	_ = 	snop  }
0xd2: {  	[tilespmem:s5], [sflag:$0x1] =	stream.indirect.gather.add.f32 [hbm:s9], $0x80, s24, s10, $0xb8;
	[tilespmem:$0xCB00] =	vst v63  }
0xd3: {  	_ = 	snop  }
0xd4: {  	[tilespmem:s5], [sflag:$0x1] =	stream.indirect.gather.add.f32 [hbm:s9], $0x80, s25, s10, $0xb8;
	[tilespmem:$0xCB00] =	vst v63  }
0xd5: {  	_ = 	snop  }
0xd6: {  	[tilespmem:s5], [sflag:$0x1] =	stream.indirect.gather.add.f32 [hbm:s9], $0x80, s29, s10, $0xb8;
	[tilespmem:$0xCB00] =	vst v63  }
0xd7: {  	_ = 	snop  }
0xd8: {  	[tilespmem:s5], [sflag:$0x1] =	stream.indirect.gather.add.f32 [hbm:s9], $0x80, s30, s10, $0xb8;
	[tilespmem:$0xCB00] =	vst v63  }
0xd9: {  	_ = 	snop  }
0xda: {  	[tilespmem:s5], [sflag:$0x1] =	stream.indirect.gather.add.f32 [hbm:s9], $0x80, s31, s10, $0xb8;
	[tilespmem:$0xCB00] =	vst v63  }
0xdb: {  	_ = 	snop  }
0xdc: {  	[tilespmem:s5], [sflag:$0x1] =	stream.indirect.gather.add.f32 [hbm:s9], $0x80, s13, s10, $0xb8;
	[tilespmem:$0xCB00] =	vst v63  }
0xdd: {  	_ =	swait.ge [sflag:s8], $0x4000  }
0xde: {  	[sflag:s8] =	ssyncset.done $0x0  }
0xdf: {  	[sflag:s8] =	ssyncadd.s32 $0xFFFFC000  }
0xe0: {  	_ =	swait.ge [sflag:s8], $0x4000  }
0xe1: {  	[sflag:s8] =	ssyncset.done $0x0  }
0xe2: {  	[sflag:s8] =	ssyncadd.s32 $0xFFFFC000  }
0xe3: {  	_ =	swait.ge [sflag:s8], $0x4000  }
0xe4: {  	[sflag:s8] =	ssyncset.done $0x0  }
0xe5: {  	[sflag:s8] =	ssyncadd.s32 $0xFFFFC000  }
0xe6: {  	_ =	swait.ge [sflag:s8], $0x4000  }
0xe7: {  	[sflag:s8] =	ssyncset.done $0x0  }
0xe8: {  	[sflag:s8] =	ssyncadd.s32 $0xFFFFC000  }
0xe9: {  	_ =	swait.ge [sflag:s8], $0x4000  }
0xea: {  	[sflag:s8] =	ssyncset.done $0x0  }
0xeb: {  	[sflag:s8] =	ssyncadd.s32 $0xFFFFC000  }
0xec: {  	_ =	swait.ge [sflag:s8], $0x4000  }
0xed: {  	[sflag:s8] =	ssyncset.done $0x0  }
0xee: {  	[sflag:s8] =	ssyncadd.s32 $0xFFFFC000  }
0xef: {  	_ =	swait.ge [sflag:s8], $0x4000  }
0xf0: {  	[sflag:s8] =	ssyncset.done $0x0  }
0xf1: {  	[sflag:s8] =	ssyncadd.s32 $0xFFFFC000  }
0xf2: {  	_ =	swait.ge [sflag:s8], $0x4000  }
0xf3: {  	[sflag:s8] =	ssyncset.done $0x0  }
0xf4: {  	[sflag:s8] =	ssyncadd.s32 $0xFFFFC000  }
0xf5: {  	_ =	swait.ge [sflag:s8], $0x4000  }
0xf6: {  	[sflag:s8] =	ssyncset.done $0x0  }
0xf7: {  	[sflag:s8] =	ssyncadd.s32 $0xFFFFC000  }
0xf8: {  	_ =	swait.ge [sflag:s8], $0x4000  }
0xf9: {  	[sflag:s8] =	ssyncset.done $0x0  }
0xfa: {  	[sflag:s8] =	ssyncadd.s32 $0xFFFFC000  }
0xfb: {  	_ =	swait.ge [sflag:s8], $0x4000  }
0xfc: {  	[sflag:s8] =	ssyncset.done $0x0  }
0xfd: {  	[sflag:s8] =	ssyncadd.s32 $0xFFFFC000  }
0xfe: {  	_ =	swait.ge [sflag:s8], $0x4000  }
0xff: {  	[sflag:s8] =	ssyncset.done $0x0  }
0x100: {  	[sflag:s8] =	ssyncadd.s32 $0xFFFFC000  }
0x101: {  	_ =	swait.ge [sflag:s8], $0x4000  }
0x102: {  	[sflag:s8] =	ssyncset.done $0x0  }
0x103: {  	[sflag:s8] =	ssyncadd.s32 $0xFFFFC000  }
0x104: {  	_ =	swait.ge [sflag:s8], $0x4000  }
0x105: {  	[sflag:s8] =	ssyncset.done $0x0  }
0x106: {  	[sflag:s8] =	ssyncadd.s32 $0xFFFFC000  }
0x107: {  	_ =	swait.ge [sflag:s8], $0x4000  }
0x108: {  	[sflag:s8] =	ssyncset.done $0x0  }
0x109: {  	[sflag:s8] =	ssyncadd.s32 $0xFFFFC000  }
0x10a: {  	_ =	swait.ge [sflag:s8], $0x4000  }
0x10b: {  	[sflag:s8] =	ssyncset.done $0x0  }
0x10c: {  	[sflag:s8] =	ssyncadd.s32 $0xFFFFC000  }
0x10d: {  	_ =	swait.ge [sflag:s8], $0x4000  }
0x10e: {  	[sflag:s8] =	ssyncset.done $0x0  }
0x10f: {  	[sflag:s8] =	ssyncadd.s32 $0xFFFFC000  }
0x110: {  	_ =	swait.ge [sflag:s8], $0x4000  }
0x111: {  	[sflag:s8] =	ssyncset.done $0x0  }
0x112: {  	[sflag:s8] =	ssyncadd.s32 $0xFFFFC000  }
0x113: {  	_ =	swait.ge [sflag:s8], $0x4000  }
0x114: {  	[sflag:s8] =	ssyncset.done $0x0  }
0x115: {  	[sflag:s8] =	ssyncadd.s32 $0xFFFFC000  }
0x116: {  	_ =	swait.ge [sflag:s8], $0x4000  }
0x117: {  	[sflag:s8] =	ssyncset.done $0x0  }
0x118: {  	s12 =	rddreg [dreg:$0x8];
	[sflag:s8] =	ssyncadd.s32 $0xFFFFC000  }
0x119: {  	[hbm4b:s12+s2] =	stream.linear.scatter [tilespmem:s5], [sflag:$0x3], $0x4000, $0x38;
	[tilespmem:$0xCB00] =	vst v63  }
0x11a: {  	_ =	swait.ge [sflag:s7], $0x4000  }
0x11b: {  	[sflag:s7] =	ssyncset.done $0x0  }
0x11c: {  	s12 =	rddreg [dreg:$0x9];
	[sflag:s7] =	ssyncadd.s32 $0xFFFFC000  }
0x11d: {  	[hbm4b:s12+s2] =	stream.linear.scatter [tilespmem:s4], [sflag:$0x3], $0x4000, $0x38;
	[tilespmem:$0xCB00] =	vst v63  }
0x11e: {  	_ =	swait.ge [sflag:s7], $0x4000  }
0x11f: {  	[sflag:s7] =	ssyncset.done $0x0  }
0x120: {  	s12 =	rddreg [dreg:$0xa];
	[sflag:s7] =	ssyncadd.s32 $0xFFFFC000  }
0x121: {  	[hbm4b:s12+s2] =	stream.linear.scatter [tilespmem:s3], [sflag:$0x3], $0x4000, $0x38;
	[tilespmem:$0xCB00] =	vst v63  }
0x122: {  	_ =	swait.ge [sflag:s6], $0x4000  }
0x123: {  	[sflag:s6] =	ssyncset.done $0x0  }
0x124: {  	p1 =	sne.s32 s1, $0x1;
	[sflag:s6] =	ssyncadd.s32 $0xFFFFC000  }
.Ltmp2:
0x125: {  	_ =	swait.ge [sflag:s6], $0x4000;
	(pc) =	sbr.rel @p1 .LBB2_4-.Ltmp2, $4  }
0x126: {  	[sflag:s6] =	ssyncset.done $0x0  }
0x127: {  	[sflag:s6] =	ssyncadd.s32 $0xFFFFC000  }
0x128: {  	_ =	swait.ge [sflag:s6], $0x4000  }
0x129: {  	s1 =	sadd.s32 $0xFFFFFFFF, s1;
	s0 =	rddreg [dreg:$0x5];
	[sflag:s6] =	ssyncset.done $0x0  }
0x12a: {  	s12 =	simm.s32 $0x980;
	s31 =	simm.s32 $0x900  }
0x12b: {  	s30 =	simm.s32 $0x880;
	s29 =	simm.s32 $0x800;
	s25 =	simm.s32 $0x780  }
0x12c: {  	s24 =	simm.s32 $0x700;
	s23 =	simm.s32 $0x680;
	s22 =	simm.s32 $0x600  }
0x12d: {  	s21 =	simm.s32 $0x580;
	s20 =	simm.s32 $0x500;
	s19 =	simm.s32 $0x480  }
0x12e: {  	s18 =	simm.s32 $0x400;
	s17 =	simm.s32 $0x380;
	s16 =	simm.s32 $0x300  }
0x12f: {  	s15 =	simm.s32 $0x280;
	s14 =	simm.s32 $0x200;
	s13 =	simm.s32 $0x180  }
.LBB2_6:
0x130: {  	[sflag:s6] =	ssyncadd.s32 @p0 $0xFFFFC000  }
0x131: {  	[tilespmem:s2], [sflag:$0x4] =	stream.linear.gather [hbm4b:s0+s2], $0xA00, $0x38;
	[tilespmem:$0xCB00] =	vst v63  }
0x132: {  	_ =	swait.ge [sflag:s11], $0xA00  }
0x133: {  	[sflag:s11] =	ssyncset.done $0x0  }
0x134: {  	s1 =	rddreg [dreg:$0x6];
	[sflag:s11] =	ssyncadd.s32 $0xFFFFF600  }
0x135: {  	[tilespmem:s28], [sflag:$0x4] =	stream.linear.gather [hbm4b:s1+s2], $0x80, $0x38;
	[tilespmem:$0xCB00] =	vst v63  }
0x136: {  	_ =	swait.ge [sflag:s11], $0x80  }
0x137: {  	[sflag:s11] =	ssyncset.done $0x0  }
0x138: {  	s1 =	rddreg [dreg:$0x7];
	[sflag:s11] =	ssyncadd.s32 $0xFFFFFF80  }
0x139: {  	[tilespmem:s26], [sflag:$0x4] =	stream.linear.gather [hbm4b:s1+s2], $0x80, $0x38;
	[tilespmem:$0xCB00] =	vst v63  }
0x13a: {  	_ =	swait.ge [sflag:s11], $0x80  }
0x13b: {  	[sflag:s11] =	ssyncset.done $0x0  }
0x13c: {  	[sflag:s11] =	ssyncadd.s32 $0xFFFFFF80  }
0x13d: {  	[tilespmem:s4], [sflag:$0x2] =	stream.indirect.gather [hbm4b:s9+s10], $0x80, s28, s10, $0xb8;
	[tilespmem:$0xCB00] =	vst v63  }
0x13e: {  	s0 =	rddreg [dreg:$0x3]  }
0x13f: {  	[tilespmem:s3], [sflag:$0x2] =	stream.indirect.gather [hbm4b:s0+s10], $0x80, s26, s10, $0xb8;
	[tilespmem:$0xCB00] =	vst v63  }
0x140: {  	s1 =	rddreg [dreg:$0x4]  }
0x141: {  	[tilespmem:s5], [sflag:$0x4] =	stream.linear.gather [hbm4b:s1+s2], $0x4000, $0x38;
	[tilespmem:$0xCB00] =	vst v63  }
0x142: {  	_ =	swait.ge [sflag:s11], $0x4000  }
0x143: {  	[sflag:s11] =	ssyncset.done $0x0  }
0x144: {  	[sflag:s11] =	ssyncadd.s32 $0xFFFFC000  }
0x145: {  	[tilespmem:s5], [sflag:$0x1] =	stream.indirect.gather.add.f32 [hbm:s9], $0x80, s2, s10, $0xb8;
	[tilespmem:$0xCB00] =	vst v63  }
0x146: {  	_ = 	snop  }
0x147: {  	[tilespmem:s5], [sflag:$0x1] =	stream.indirect.gather.add.f32 [hbm:s9], $0x80, s10, s10, $0xb8;
	[tilespmem:$0xCB00] =	vst v63  }
0x148: {  	s26 =	rddreg [dreg:$0xb]  }
0x149: {  	[tilespmem:s5], [sflag:$0x1] =	stream.indirect.gather.add.f32 [hbm:s9], $0x80, s26, s10, $0xb8;
	[tilespmem:$0xCB00] =	vst v63  }
0x14a: {  	_ = 	snop  }
0x14b: {  	[tilespmem:s5], [sflag:$0x1] =	stream.indirect.gather.add.f32 [hbm:s9], $0x80, s13, s10, $0xb8;
	[tilespmem:$0xCB00] =	vst v63  }
0x14c: {  	_ = 	snop  }
0x14d: {  	[tilespmem:s5], [sflag:$0x1] =	stream.indirect.gather.add.f32 [hbm:s9], $0x80, s14, s10, $0xb8;
	[tilespmem:$0xCB00] =	vst v63  }
0x14e: {  	_ = 	snop  }
0x14f: {  	[tilespmem:s5], [sflag:$0x1] =	stream.indirect.gather.add.f32 [hbm:s9], $0x80, s15, s10, $0xb8;
	[tilespmem:$0xCB00] =	vst v63  }
0x150: {  	_ = 	snop  }
0x151: {  	[tilespmem:s5], [sflag:$0x1] =	stream.indirect.gather.add.f32 [hbm:s9], $0x80, s16, s10, $0xb8;
	[tilespmem:$0xCB00] =	vst v63  }
0x152: {  	_ = 	snop  }
0x153: {  	[tilespmem:s5], [sflag:$0x1] =	stream.indirect.gather.add.f32 [hbm:s9], $0x80, s17, s10, $0xb8;
	[tilespmem:$0xCB00] =	vst v63  }
0x154: {  	_ = 	snop  }
0x155: {  	[tilespmem:s5], [sflag:$0x1] =	stream.indirect.gather.add.f32 [hbm:s9], $0x80, s18, s10, $0xb8;
	[tilespmem:$0xCB00] =	vst v63  }
0x156: {  	_ = 	snop  }
0x157: {  	[tilespmem:s5], [sflag:$0x1] =	stream.indirect.gather.add.f32 [hbm:s9], $0x80, s19, s10, $0xb8;
	[tilespmem:$0xCB00] =	vst v63  }
0x158: {  	_ = 	snop  }
0x159: {  	[tilespmem:s5], [sflag:$0x1] =	stream.indirect.gather.add.f32 [hbm:s9], $0x80, s20, s10, $0xb8;
	[tilespmem:$0xCB00] =	vst v63  }
0x15a: {  	_ = 	snop  }
0x15b: {  	[tilespmem:s5], [sflag:$0x1] =	stream.indirect.gather.add.f32 [hbm:s9], $0x80, s21, s10, $0xb8;
	[tilespmem:$0xCB00] =	vst v63  }
0x15c: {  	_ = 	snop  }
0x15d: {  	[tilespmem:s5], [sflag:$0x1] =	stream.indirect.gather.add.f32 [hbm:s9], $0x80, s22, s10, $0xb8;
	[tilespmem:$0xCB00] =	vst v63  }
0x15e: {  	_ = 	snop  }
0x15f: {  	[tilespmem:s5], [sflag:$0x1] =	stream.indirect.gather.add.f32 [hbm:s9], $0x80, s23, s10, $0xb8;
	[tilespmem:$0xCB00] =	vst v63  }
0x160: {  	_ = 	snop  }
0x161: {  	[tilespmem:s5], [sflag:$0x1] =	stream.indirect.gather.add.f32 [hbm:s9], $0x80, s24, s10, $0xb8;
	[tilespmem:$0xCB00] =	vst v63  }
0x162: {  	_ = 	snop  }
0x163: {  	[tilespmem:s5], [sflag:$0x1] =	stream.indirect.gather.add.f32 [hbm:s9], $0x80, s25, s10, $0xb8;
	[tilespmem:$0xCB00] =	vst v63  }
0x164: {  	_ = 	snop  }
0x165: {  	[tilespmem:s5], [sflag:$0x1] =	stream.indirect.gather.add.f32 [hbm:s9], $0x80, s29, s10, $0xb8;
	[tilespmem:$0xCB00] =	vst v63  }
0x166: {  	_ = 	snop  }
0x167: {  	[tilespmem:s5], [sflag:$0x1] =	stream.indirect.gather.add.f32 [hbm:s9], $0x80, s30, s10, $0xb8;
	[tilespmem:$0xCB00] =	vst v63  }
0x168: {  	_ = 	snop  }
0x169: {  	[tilespmem:s5], [sflag:$0x1] =	stream.indirect.gather.add.f32 [hbm:s9], $0x80, s31, s10, $0xb8;
	[tilespmem:$0xCB00] =	vst v63  }
0x16a: {  	_ = 	snop  }
0x16b: {  	[tilespmem:s5], [sflag:$0x1] =	stream.indirect.gather.add.f32 [hbm:s9], $0x80, s12, s10, $0xb8;
	[tilespmem:$0xCB00] =	vst v63  }
0x16c: {  	_ =	swait.ge [sflag:s8], $0x4000  }
0x16d: {  	[sflag:s8] =	ssyncset.done $0x0  }
0x16e: {  	[sflag:s8] =	ssyncadd.s32 $0xFFFFC000  }
0x16f: {  	_ =	swait.ge [sflag:s8], $0x4000  }
0x170: {  	[sflag:s8] =	ssyncset.done $0x0  }
0x171: {  	[sflag:s8] =	ssyncadd.s32 $0xFFFFC000  }
0x172: {  	_ =	swait.ge [sflag:s8], $0x4000  }
0x173: {  	[sflag:s8] =	ssyncset.done $0x0  }
0x174: {  	[sflag:s8] =	ssyncadd.s32 $0xFFFFC000  }
0x175: {  	_ =	swait.ge [sflag:s8], $0x4000  }
0x176: {  	[sflag:s8] =	ssyncset.done $0x0  }
0x177: {  	[sflag:s8] =	ssyncadd.s32 $0xFFFFC000  }
0x178: {  	_ =	swait.ge [sflag:s8], $0x4000  }
0x179: {  	[sflag:s8] =	ssyncset.done $0x0  }
0x17a: {  	[sflag:s8] =	ssyncadd.s32 $0xFFFFC000  }
0x17b: {  	_ =	swait.ge [sflag:s8], $0x4000  }
0x17c: {  	[sflag:s8] =	ssyncset.done $0x0  }
0x17d: {  	[sflag:s8] =	ssyncadd.s32 $0xFFFFC000  }
0x17e: {  	_ =	swait.ge [sflag:s8], $0x4000  }
0x17f: {  	[sflag:s8] =	ssyncset.done $0x0  }
0x180: {  	[sflag:s8] =	ssyncadd.s32 $0xFFFFC000  }
0x181: {  	_ =	swait.ge [sflag:s8], $0x4000  }
0x182: {  	[sflag:s8] =	ssyncset.done $0x0  }
0x183: {  	[sflag:s8] =	ssyncadd.s32 $0xFFFFC000  }
0x184: {  	_ =	swait.ge [sflag:s8], $0x4000  }
0x185: {  	[sflag:s8] =	ssyncset.done $0x0  }
0x186: {  	[sflag:s8] =	ssyncadd.s32 $0xFFFFC000  }
0x187: {  	_ =	swait.ge [sflag:s8], $0x4000  }
0x188: {  	[sflag:s8] =	ssyncset.done $0x0  }
0x189: {  	[sflag:s8] =	ssyncadd.s32 $0xFFFFC000  }
0x18a: {  	_ =	swait.ge [sflag:s8], $0x4000  }
0x18b: {  	[sflag:s8] =	ssyncset.done $0x0  }
0x18c: {  	[sflag:s8] =	ssyncadd.s32 $0xFFFFC000  }
0x18d: {  	_ =	swait.ge [sflag:s8], $0x4000  }
0x18e: {  	[sflag:s8] =	ssyncset.done $0x0  }
0x18f: {  	[sflag:s8] =	ssyncadd.s32 $0xFFFFC000  }
0x190: {  	_ =	swait.ge [sflag:s8], $0x4000  }
0x191: {  	[sflag:s8] =	ssyncset.done $0x0  }
0x192: {  	[sflag:s8] =	ssyncadd.s32 $0xFFFFC000  }
0x193: {  	_ =	swait.ge [sflag:s8], $0x4000  }
0x194: {  	[sflag:s8] =	ssyncset.done $0x0  }
0x195: {  	[sflag:s8] =	ssyncadd.s32 $0xFFFFC000  }
0x196: {  	_ =	swait.ge [sflag:s8], $0x4000  }
0x197: {  	[sflag:s8] =	ssyncset.done $0x0  }
0x198: {  	[sflag:s8] =	ssyncadd.s32 $0xFFFFC000  }
0x199: {  	_ =	swait.ge [sflag:s8], $0x4000  }
0x19a: {  	[sflag:s8] =	ssyncset.done $0x0  }
0x19b: {  	[sflag:s8] =	ssyncadd.s32 $0xFFFFC000  }
0x19c: {  	_ =	swait.ge [sflag:s8], $0x4000  }
0x19d: {  	[sflag:s8] =	ssyncset.done $0x0  }
0x19e: {  	[sflag:s8] =	ssyncadd.s32 $0xFFFFC000  }
0x19f: {  	_ =	swait.ge [sflag:s8], $0x4000  }
0x1a0: {  	[sflag:s8] =	ssyncset.done $0x0  }
0x1a1: {  	[sflag:s8] =	ssyncadd.s32 $0xFFFFC000  }
0x1a2: {  	_ =	swait.ge [sflag:s8], $0x4000  }
0x1a3: {  	[sflag:s8] =	ssyncset.done $0x0  }
0x1a4: {  	[sflag:s8] =	ssyncadd.s32 $0xFFFFC000  }
0x1a5: {  	_ =	swait.ge [sflag:s8], $0x4000  }
0x1a6: {  	[sflag:s8] =	ssyncset.done $0x0  }
0x1a7: {  	s28 =	rddreg [dreg:$0x8];
	[sflag:s8] =	ssyncadd.s32 $0xFFFFC000  }
0x1a8: {  	[hbm4b:s28+s2] =	stream.linear.scatter [tilespmem:s5], [sflag:$0x3], $0x4000, $0x38;
	[tilespmem:$0xCB00] =	vst v63  }
0x1a9: {  	_ =	swait.ge [sflag:s7], $0x4000  }
0x1aa: {  	[sflag:s7] =	ssyncset.done $0x0  }
0x1ab: {  	s29 =	rddreg [dreg:$0x9];
	[sflag:s7] =	ssyncadd.s32 $0xFFFFC000  }
0x1ac: {  	[hbm4b:s29+s2] =	stream.linear.scatter [tilespmem:s4], [sflag:$0x3], $0x4000, $0x38;
	[tilespmem:$0xCB00] =	vst v63  }
0x1ad: {  	_ =	swait.ge [sflag:s7], $0x4000  }
0x1ae: {  	[sflag:s7] =	ssyncset.done $0x0  }
0x1af: {  	s30 =	rddreg [dreg:$0xa];
	[sflag:s7] =	ssyncadd.s32 $0xFFFFC000  }
0x1b0: {  	[hbm4b:s30+s2] =	stream.linear.scatter [tilespmem:s3], [sflag:$0x3], $0x4000, $0x38;
	[tilespmem:$0xCB00] =	vst v63  }
0x1b1: {  	_ =	swait.ge [sflag:s6], $0x4000  }
0x1b2: {  	[sflag:s6] =	ssyncset.done $0x0  }
0x1b3: {  	[sflag:s6] =	ssyncadd.s32 $0xFFFFC000  }
0x1b4: {  	_ =	swait.ge [sflag:s6], $0x4000  }
0x1b5: {  	[sflag:s6] =	ssyncset.done $0x0  }
0x1b6: {  	[sflag:s6] =	ssyncadd.s32 $0xFFFFC000  }
0x1b7: {  	_ =	swait.ge [sflag:s6], $0x4000  }
0x1b8: {  	[sflag:s6] =	ssyncset.done $0x0  }
0x1b9: {  	[sflag:s6] =	ssyncadd.s32 $0xFFFFC000  }
0x1ba: {  	_ =	sfence.sel $0x180000  }
0x1bb: {  	[bflag:$0x0] =	sbarrier.arrive $0xFFFF  }
0x1bc: {  	_ =	strace $0x90000047  }
0x1bd: {  	s31 =	stileid.u32;
	[bflag:$0x2] =	sbarrier.arrive $0xFFFF  }
0x1be: {  	p0 =	sne.s32 s31, $0x0;
	s0 =	rddreg [dreg:$0x2]  }
0x1bf: {  	s0 =	sadd.s32 @!p0 $0x100000, s0  }
0x1c0: {  	[sflag:s0] =	ssyncadd.tile.s32 @!p0 $0x1;
	_ =	shalt  }
.LBB2_1:
0x1c1: {  	s12 =	simm.s32 $0x980;
	s31 =	simm.s32 $0x900;
	s30 =	simm.s32 $0x880  }
.Ltmp3:
0x1c2: {  	s29 =	simm.s32 $0x800;
	s25 =	simm.s32 $0x780;
	(pc) =	sbr.rel .LBB2_6-.Ltmp3, $4  }
0x1c3: {  	s24 =	simm.s32 $0x700;
	s23 =	simm.s32 $0x680;
	s22 =	simm.s32 $0x600  }
0x1c4: {  	s21 =	simm.s32 $0x580;
	s20 =	simm.s32 $0x500;
	s19 =	simm.s32 $0x480  }
0x1c5: {  	s18 =	simm.s32 $0x400;
	s17 =	simm.s32 $0x380;
	s16 =	simm.s32 $0x300  }
0x1c6: {  	s15 =	simm.s32 $0x280;
	s14 =	simm.s32 $0x200;
	s13 =	simm.s32 $0x180  }
.LBB2_3:
0x1c7: {  	s12 =	simm.s32 $0x980;
	s31 =	simm.s32 $0x900;
	s30 =	simm.s32 $0x880  }
.Ltmp4:
0x1c8: {  	s29 =	simm.s32 $0x800;
	s25 =	simm.s32 $0x780;
	(pc) =	sbr.rel .LBB2_6-.Ltmp4, $4  }
0x1c9: {  	s24 =	simm.s32 $0x700;
	s23 =	simm.s32 $0x680;
	s22 =	simm.s32 $0x600  }
0x1ca: {  	s21 =	simm.s32 $0x580;
	s20 =	simm.s32 $0x500;
	s19 =	simm.s32 $0x480  }
0x1cb: {  	s18 =	simm.s32 $0x400;
	s17 =	simm.s32 $0x380;
	s16 =	simm.s32 $0x300  }
0x1cc: {  	s15 =	simm.s32 $0x280;
	s14 =	simm.s32 $0x200;
	s13 =	simm.s32 $0x180  }
.Lfunc_end2:
_tile_overlayer_lowered:
.L_overlay_start_2:
0x1cd: {  	(tag) =	ssettag $0x2  }
0x1ce: {  	s0 =	rddreg [dreg:$0x0];
	s2 =	stileid.u32  }
0x1cf: {  	s1 =	rddreg [dreg:$0x1];
	p0 =	sne.s32 s2, $0x0  }
0x1d0: {  	s3 =	rddreg [dreg:$0x2];
	[bflag:$0x3] =	sbarrier.arrive $0xFFFF;
	s2 =	simm.s32 @!p0 $0x1C04  }
0x1d1: {  	[timem:s3], [sflag:s2] =	dma.local @!p0 [hbm:s0], s1  }
0x1d2: {  	s0 =	simm.s32 @!p0 $0x4  }
0x1d3: {  	_ =	swait.ge @!p0 [sflag:s0], s1  }
0x1d4: {  	s1 =	ssub.s32 @!p0 $0x0, s1;
	[sflag:s0] =	ssyncset.done @!p0 $0x0  }
0x1d5: {  	[sflag:s0] =	ssyncadd.s32 @!p0 s1  }
0x1d6: {  	[bflag:$0x3] =	sbarrier.arrive $0xFFFF  }
0x1d7: {  	_ =	shalt  }

</sc_bundles>
